<compile_context>
chip_gen: v7x
topology: tpu7x:2x2x1
jax: 0.10.2.dev20260603
libtpu: 0.0.44.dev20260713+nightly
codegen_flags: <defaults>
</compile_context>

<pallas_src>
import functools

import jax
import jax.numpy as jnp
from jax import lax
from jax.experimental import pallas as pl
from jax.experimental.pallas import tpu as pltpu
from jax.experimental.pallas import tpu_sc as plsc

LIST_LEN = 16384
EMBED_DIM = 64
N_ITEM = 1000000
N_ENTITY = 100000
N_WORD = 100000
L = 16

BLK_ITEM = 32768
BLK_SMALL = 16384
PAD_ITEM = 31 * BLK_ITEM
PAD_SMALL = 7 * BLK_SMALL
HALF_ITEM = PAD_ITEM // 2
HALF_SMALL = PAD_SMALL // 2
NB_SMALL = PAD_SMALL // BLK_SMALL
SCALE = 1.0 / (3.0 * LIST_LEN)


def _rebase(cid, idx_v, loc_v, half, chunk):
    lo = cid * half

    def step(i, _):
        v = idx_v[pl.ds(i * L, L)] - lo
        oob = (v < 0) | (v >= half)
        loc_v[pl.ds(i * L, L)] = jnp.where(oob, half, v)
        return 0

    lax.fori_loop(0, chunk // L, step, 0)


def _sc_item_kernel(nc, ns, chunk):
    mesh = plsc.VectorSubcoreMesh(core_axis_name="c", subcore_axis_name="s")
    sl = HALF_ITEM // ns

    @functools.partial(
        pl.kernel,
        out_type=jax.ShapeDtypeStruct((PAD_ITEM,), jnp.float32),
        mesh=mesh,
        scratch_types=[
            pltpu.VMEM((chunk,), jnp.int32),
            pltpu.VMEM((chunk,), jnp.int32),
            pltpu.VMEM((chunk,), jnp.float32),
            pltpu.VMEM_SHARED((HALF_ITEM + 8,), jnp.float32),
            pltpu.SemaphoreType.DMA,
        ],
        compiler_params=pltpu.CompilerParams(use_tc_tiling_on_sc=False),
    )
    def body(item_list, zeros_hbm, ones_hbm, out_item,
             idx_v, loc_v, ones_v, h, sem):
        cid = lax.axis_index("c")
        sid = lax.axis_index("s")
        base = sid * chunk
        copies = [
            pltpu.async_copy(zeros_hbm.at[pl.ds(0, sl)],
                             h.at[pl.ds(sid * sl, sl)], sem),
            pltpu.async_copy(ones_hbm, ones_v, sem),
            pltpu.async_copy(item_list.at[pl.ds(base, chunk)], idx_v, sem),
        ]
        for c in copies:
            c.wait()
        _rebase(cid, idx_v, loc_v, HALF_ITEM, chunk)
        plsc.subcore_barrier()
        pltpu.async_copy(ones_v, h.at[loc_v], sem, add=True).wait()
        plsc.subcore_barrier()
        pltpu.async_copy(
            h.at[pl.ds(sid * sl, sl)],
            out_item.at[pl.ds(cid * HALF_ITEM + sid * sl, sl)], sem).wait()

    return body


def _sc_small_kernel(nc, ns, chunk):
    mesh = plsc.VectorSubcoreMesh(core_axis_name="c", subcore_axis_name="s")
    sl = HALF_SMALL // ns

    @functools.partial(
        pl.kernel,
        out_type=(
            jax.ShapeDtypeStruct((PAD_SMALL,), jnp.float32),
            jax.ShapeDtypeStruct((PAD_SMALL,), jnp.float32),
        ),
        mesh=mesh,
        scratch_types=[
            pltpu.VMEM((chunk,), jnp.int32),
            pltpu.VMEM((chunk,), jnp.int32),
            pltpu.VMEM((chunk,), jnp.int32),
            pltpu.VMEM((chunk,), jnp.int32),
            pltpu.VMEM((chunk,), jnp.float32),
            pltpu.VMEM_SHARED((HALF_SMALL + 8,), jnp.float32),
            pltpu.VMEM_SHARED((HALF_SMALL + 8,), jnp.float32),
            pltpu.SemaphoreType.DMA,
        ],
        compiler_params=pltpu.CompilerParams(use_tc_tiling_on_sc=False),
    )
    def body(entity_list, word_list, zeros_hbm, ones_hbm,
             out_entity, out_word,
             idx_e, idx_w, loc_e, loc_w, ones_v, h_ent, h_word, sem):
        cid = lax.axis_index("c")
        sid = lax.axis_index("s")
        base = sid * chunk
        copies = [
            pltpu.async_copy(zeros_hbm.at[pl.ds(0, sl)],
                             h_ent.at[pl.ds(sid * sl, sl)], sem),
            pltpu.async_copy(zeros_hbm.at[pl.ds(0, sl)],
                             h_word.at[pl.ds(sid * sl, sl)], sem),
            pltpu.async_copy(ones_hbm, ones_v, sem),
            pltpu.async_copy(entity_list.at[pl.ds(base, chunk)], idx_e, sem),
            pltpu.async_copy(word_list.at[pl.ds(base, chunk)], idx_w, sem),
        ]
        for c in copies:
            c.wait()
        _rebase(cid, idx_e, loc_e, HALF_SMALL, chunk)
        _rebase(cid, idx_w, loc_w, HALF_SMALL, chunk)
        plsc.subcore_barrier()
        scatters = [
            pltpu.async_copy(ones_v, h_ent.at[loc_e], sem, add=True),
            pltpu.async_copy(ones_v, h_word.at[loc_w], sem, add=True),
        ]
        for c in scatters:
            c.wait()
        plsc.subcore_barrier()
        dumps = [
            pltpu.async_copy(
                h_ent.at[pl.ds(sid * sl, sl)],
                out_entity.at[pl.ds(cid * HALF_SMALL + sid * sl, sl)], sem),
            pltpu.async_copy(
                h_word.at[pl.ds(sid * sl, sl)],
                out_word.at[pl.ds(cid * HALF_SMALL + sid * sl, sl)], sem),
        ]
        for c in dumps:
            c.wait()

    return body


def _dot_nt(t, c):
    return lax.dot_general(t, c, (((1,), (1,)), ((), ())),
                           preferred_element_type=jnp.float32)


def _mv_item_kernel(tT_ref, c_ref, out_ref):
    j = pl.program_id(0)

    @pl.when(j == 0)
    def _():
        out_ref[...] = jnp.zeros_like(out_ref)

    out_ref[...] += _dot_nt(tT_ref[...], c_ref[...])


def _mv_small_head_kernel(tTe_ref, tTw_ref, ce_ref, cw_ref,
                          ei_ref, w_ref, b_ref, out_ref, acc_ref):
    j = pl.program_id(0)

    @pl.when(j == 0)
    def _():
        acc_ref[...] = jnp.zeros_like(acc_ref)

    acc_ref[...] += (_dot_nt(tTe_ref[...], ce_ref[...]) +
                     _dot_nt(tTw_ref[...], cw_ref[...]))

    @pl.when(j == NB_SMALL - 1)
    def _():
        s = (acc_ref[...] + ei_ref[...]) * SCALE
        out_ref[...] = (jnp.sum(s * w_ref[...], axis=0, keepdims=True)
                        + b_ref[...])


def kernel(item_list, entity_list, word_list,
           item_table, entity_table, word_table, W_cls, b_cls):
    info = plsc.get_sparse_core_info()
    nc, ns = info.num_cores, info.num_subcores
    chunk = LIST_LEN // ns
    sl_item = HALF_ITEM // ns
    zeros = jnp.zeros((sl_item,), jnp.float32)
    ones = jnp.ones((chunk,), jnp.float32)

    cnt_item = _sc_item_kernel(nc, ns, chunk)(
        item_list.astype(jnp.int32), zeros, ones)
    cnt_entity, cnt_word = _sc_small_kernel(nc, ns, chunk)(
        entity_list.astype(jnp.int32), word_list.astype(jnp.int32),
        zeros, ones)

    e_item = pl.pallas_call(
        _mv_item_kernel,
        grid=(PAD_ITEM // BLK_ITEM,),
        in_specs=[
            pl.BlockSpec((EMBED_DIM, BLK_ITEM), lambda j: (0, j)),
            pl.BlockSpec((1, BLK_ITEM), lambda j: (0, j)),
        ],
        out_specs=pl.BlockSpec((EMBED_DIM, 1), lambda j: (0, 0)),
        out_shape=jax.ShapeDtypeStruct((EMBED_DIM, 1), jnp.float32),
        compiler_params=pltpu.CompilerParams(
            dimension_semantics=("arbitrary",)),
    )(item_table.T, cnt_item.reshape(1, PAD_ITEM))

    out = pl.pallas_call(
        _mv_small_head_kernel,
        grid=(NB_SMALL,),
        in_specs=[
            pl.BlockSpec((EMBED_DIM, BLK_SMALL), lambda j: (0, j)),
            pl.BlockSpec((EMBED_DIM, BLK_SMALL), lambda j: (0, j)),
            pl.BlockSpec((1, BLK_SMALL), lambda j: (0, j)),
            pl.BlockSpec((1, BLK_SMALL), lambda j: (0, j)),
            pl.BlockSpec((EMBED_DIM, 1), lambda j: (0, 0)),
            pl.BlockSpec((EMBED_DIM, 2), lambda j: (0, 0)),
            pl.BlockSpec((1, 2), lambda j: (0, 0)),
        ],
        out_specs=pl.BlockSpec((1, 2), lambda j: (0, 0)),
        out_shape=jax.ShapeDtypeStruct((1, 2), jnp.float32),
        scratch_shapes=[pltpu.VMEM((EMBED_DIM, 1), jnp.float32)],
        compiler_params=pltpu.CompilerParams(
            dimension_semantics=("arbitrary",)),
    )(entity_table.T, word_table.T,
      cnt_entity.reshape(1, PAD_SMALL), cnt_word.reshape(1, PAD_SMALL),
      e_item, W_cls, b_cls.reshape(1, 2))
    return out

# --- scband reference (transcript-rebuilt; emitter-appended) ---
"""Pipeline reference for scband-pretrain-embedding-model-22539988369807 (READ-ONLY COPY).

The authoritative reference and input builder live on the scoring server;
editing this copy changes nothing except your own understanding.
"""

import jax, jax.numpy as jnp
import numpy as np

N_ITEM = 1000000
N_ENTITY = 100000
N_WORD = 100000
EMBED_DIM = 64
N_CLASS = 2
LIST_LEN = 16384


def setup_inputs(seed: int = 0) -> dict:
    key = jax.random.key(seed)
    k1, k2, k3, k4, k5, k6, k7, k8 = jax.random.split(key, 8)
    item_list = jax.random.randint(k1, (LIST_LEN,), 0, N_ITEM, dtype=jnp.int64 if jax.config.jax_enable_x64 else jnp.int32)
    entity_list = jax.random.randint(k2, (LIST_LEN,), 0, N_ENTITY, dtype=jnp.int64 if jax.config.jax_enable_x64 else jnp.int32)
    word_list = jax.random.randint(k3, (LIST_LEN,), 0, N_WORD, dtype=jnp.int64 if jax.config.jax_enable_x64 else jnp.int32)
    item_table = jax.random.normal(k4, (N_ITEM, EMBED_DIM), dtype=jnp.float32) * 0.02
    entity_table = jax.random.normal(k5, (N_ENTITY, EMBED_DIM), dtype=jnp.float32) * 0.02
    word_table = jax.random.normal(k6, (N_WORD, EMBED_DIM), dtype=jnp.float32) * 0.02
    W_cls = jax.random.normal(k7, (EMBED_DIM, N_CLASS), dtype=jnp.float32) * 0.02
    b_cls = jax.random.normal(k8, (N_CLASS,), dtype=jnp.float32) * 0.02
    return {
        "item_list": item_list,
        "entity_list": entity_list,
        "word_list": word_list,
        "item_table": item_table,
        "entity_table": entity_table,
        "word_table": word_table,
        "W_cls": W_cls,
        "b_cls": b_cls,
    }


def reference(item_list, entity_list, word_list, item_table, entity_table, word_table, W_cls, b_cls):
    # Embedding lookups (gather) followed by mean over the list dimension,
    # keeping dim 0 (mirrors torch .mean(0, keepdim=True)).
    item_emb = jnp.take(item_table, item_list, axis=0).mean(axis=0, keepdims=True)
    entity_emb = jnp.take(entity_table, entity_list, axis=0).mean(axis=0, keepdims=True)
    word_emb = jnp.take(word_table, word_list, axis=0).mean(axis=0, keepdims=True)
    emb = (item_emb + entity_emb + word_emb) / 3.0
    out = emb @ W_cls + b_cls  # classifier: Linear(embedding_dim, n_class)
    return out

if __name__ == "__main__":
    import jax
    _d = setup_inputs()
    print(jax.jit(kernel)(*tuple(_d.values())))

</pallas_src>

<mosaic_0001>
#map = affine_map<(d0, d1) -> (0)>
module attributes {stable_mosaic.version = 14 : i64} {
  func.func @body(%arg0: i32, %arg1: i32, %arg2: memref<16384xi32, #tpu.memory_space<hbm>>, %arg3: memref<16384xi32, #tpu.memory_space<hbm>>, %arg4: memref<31744xf32, #tpu.memory_space<hbm>>, %arg5: memref<1024xf32, #tpu.memory_space<hbm>>, %arg6: memref<114688xf32, #tpu.memory_space<hbm>>, %arg7: memref<114688xf32, #tpu.memory_space<hbm>>, %arg8: memref<1024xi32, #tpu.memory_space<vmem>>, %arg9: memref<1024xi32, #tpu.memory_space<vmem>>, %arg10: memref<1024xi32, #tpu.memory_space<vmem>>, %arg11: memref<1024xi32, #tpu.memory_space<vmem>>, %arg12: memref<1024xf32, #tpu.memory_space<vmem>>, %arg13: memref<57352xf32, #tpu.memory_space<vmem_shared>>, %arg14: memref<57352xf32, #tpu.memory_space<vmem_shared>>, %arg15: memref<!tpu.dma_semaphore, #tpu.memory_space<semaphore_mem>>) attributes {dimension_semantics = [#tpu.dimension_semantics<core_parallel>, #tpu.dimension_semantics<subcore_parallel>], iteration_bounds = array<i64: 2, 16>, scalar_prefetch = 0 : i64, scratch_operands = 8 : i64, tpu.core_type = #tpu.core_type<sc_vector_subcore>, window_params = [{transform_indices = #map}, {transform_indices = #map}, {transform_indices = #map}, {transform_indices = #map}, {transform_indices = #map}, {transform_indices = #map}]} {
    %mul3A = arith.constant 1024 : i32
    %mul3A_0 = arith.muli %arg1, %mul3A : i32
    %mul3A_1 = arith.constant 3584 : i32
    %mul3A_2 = arith.muli %arg1, %mul3A_1 : i32
    %dma_start3A = tpu.memref_slice %arg13[%mul3A_2] : memref<57352xf32, #tpu.memory_space<vmem_shared>> -> memref<3584xf32, #tpu.memory_space<vmem_shared>>
    %dma_start3A_3 = arith.constant 0 : i32
    %dma_start3A_4 = tpu.memref_slice %arg4[%dma_start3A_3] : memref<31744xf32, #tpu.memory_space<hbm>> -> memref<3584xf32, #tpu.memory_space<hbm>>
    tpu.enqueue_dma source(%dma_start3A_4 : memref<3584xf32, #tpu.memory_space<hbm>>) target(%dma_start3A : memref<3584xf32, #tpu.memory_space<vmem_shared>>) target_semaphore(%arg15 : memref<!tpu.dma_semaphore, #tpu.memory_space<semaphore_mem>>)
    %mul3A_5 = arith.constant 3584 : i32
    %mul3A_6 = arith.muli %arg1, %mul3A_5 : i32
    %dma_start3A_7 = tpu.memref_slice %arg14[%mul3A_6] : memref<57352xf32, #tpu.memory_space<vmem_shared>> -> memref<3584xf32, #tpu.memory_space<vmem_shared>>
    %dma_start3A_8 = arith.constant 0 : i32
    %dma_start3A_9 = tpu.memref_slice %arg4[%dma_start3A_8] : memref<31744xf32, #tpu.memory_space<hbm>> -> memref<3584xf32, #tpu.memory_space<hbm>>
    tpu.enqueue_dma source(%dma_start3A_9 : memref<3584xf32, #tpu.memory_space<hbm>>) target(%dma_start3A_7 : memref<3584xf32, #tpu.memory_space<vmem_shared>>) target_semaphore(%arg15 : memref<!tpu.dma_semaphore, #tpu.memory_space<semaphore_mem>>)
    tpu.enqueue_dma source(%arg5 : memref<1024xf32, #tpu.memory_space<hbm>>) target(%arg12 : memref<1024xf32, #tpu.memory_space<vmem>>) target_semaphore(%arg15 : memref<!tpu.dma_semaphore, #tpu.memory_space<semaphore_mem>>)
    %dma_start3A_10 = tpu.memref_slice %arg2[%mul3A_0] : memref<16384xi32, #tpu.memory_space<hbm>> -> memref<1024xi32, #tpu.memory_space<hbm>>
    %dma_start3A_11 = tpu.memref_slice %arg2[%mul3A_0] : memref<16384xi32, #tpu.memory_space<hbm>> -> memref<1024xi32, #tpu.memory_space<hbm>>
    tpu.enqueue_dma source(%dma_start3A_11 : memref<1024xi32, #tpu.memory_space<hbm>>) target(%arg8 : memref<1024xi32, #tpu.memory_space<vmem>>) target_semaphore(%arg15 : memref<!tpu.dma_semaphore, #tpu.memory_space<semaphore_mem>>)
    %dma_start3A_12 = tpu.memref_slice %arg3[%mul3A_0] : memref<16384xi32, #tpu.memory_space<hbm>> -> memref<1024xi32, #tpu.memory_space<hbm>>
    %dma_start3A_13 = tpu.memref_slice %arg3[%mul3A_0] : memref<16384xi32, #tpu.memory_space<hbm>> -> memref<1024xi32, #tpu.memory_space<hbm>>
    tpu.enqueue_dma source(%dma_start3A_13 : memref<1024xi32, #tpu.memory_space<hbm>>) target(%arg9 : memref<1024xi32, #tpu.memory_space<vmem>>) target_semaphore(%arg15 : memref<!tpu.dma_semaphore, #tpu.memory_space<semaphore_mem>>)
    %dma_wait3A = tpu.memref_slice %arg13[%mul3A_2] : memref<57352xf32, #tpu.memory_space<vmem_shared>> -> memref<3584xf32, #tpu.memory_space<vmem_shared>>
    %dma_wait3A_14 = arith.constant 0 : i32
    %dma_wait3A_15 = tpu.memref_slice %arg4[%dma_wait3A_14] : memref<31744xf32, #tpu.memory_space<hbm>> -> memref<3584xf32, #tpu.memory_space<hbm>>
    tpu.wait_dma2 semaphore(%arg15 : memref<!tpu.dma_semaphore, #tpu.memory_space<semaphore_mem>>) src(%dma_wait3A_15 : memref<3584xf32, #tpu.memory_space<hbm>>) dst(%dma_wait3A : memref<3584xf32, #tpu.memory_space<vmem_shared>>)
    %dma_wait3A_16 = tpu.memref_slice %arg14[%mul3A_6] : memref<57352xf32, #tpu.memory_space<vmem_shared>> -> memref<3584xf32, #tpu.memory_space<vmem_shared>>
    %dma_wait3A_17 = arith.constant 0 : i32
    %dma_wait3A_18 = tpu.memref_slice %arg4[%dma_wait3A_17] : memref<31744xf32, #tpu.memory_space<hbm>> -> memref<3584xf32, #tpu.memory_space<hbm>>
    tpu.wait_dma2 semaphore(%arg15 : memref<!tpu.dma_semaphore, #tpu.memory_space<semaphore_mem>>) src(%dma_wait3A_18 : memref<3584xf32, #tpu.memory_space<hbm>>) dst(%dma_wait3A_16 : memref<3584xf32, #tpu.memory_space<vmem_shared>>)
    tpu.wait_dma2 semaphore(%arg15 : memref<!tpu.dma_semaphore, #tpu.memory_space<semaphore_mem>>) src(%arg5 : memref<1024xf32, #tpu.memory_space<hbm>>) dst(%arg12 : memref<1024xf32, #tpu.memory_space<vmem>>)
    %dma_wait3A_19 = tpu.memref_slice %arg2[%mul3A_0] : memref<16384xi32, #tpu.memory_space<hbm>> -> memref<1024xi32, #tpu.memory_space<hbm>>
    %dma_wait3A_20 = tpu.memref_slice %arg2[%mul3A_0] : memref<16384xi32, #tpu.memory_space<hbm>> -> memref<1024xi32, #tpu.memory_space<hbm>>
    tpu.wait_dma2 semaphore(%arg15 : memref<!tpu.dma_semaphore, #tpu.memory_space<semaphore_mem>>) src(%dma_wait3A_20 : memref<1024xi32, #tpu.memory_space<hbm>>) dst(%arg8 : memref<1024xi32, #tpu.memory_space<vmem>>)
    %dma_wait3A_21 = tpu.memref_slice %arg3[%mul3A_0] : memref<16384xi32, #tpu.memory_space<hbm>> -> memref<1024xi32, #tpu.memory_space<hbm>>
    %dma_wait3A_22 = tpu.memref_slice %arg3[%mul3A_0] : memref<16384xi32, #tpu.memory_space<hbm>> -> memref<1024xi32, #tpu.memory_space<hbm>>
    tpu.wait_dma2 semaphore(%arg15 : memref<!tpu.dma_semaphore, #tpu.memory_space<semaphore_mem>>) src(%dma_wait3A_22 : memref<1024xi32, #tpu.memory_space<hbm>>) dst(%arg9 : memref<1024xi32, #tpu.memory_space<vmem>>)
    %mul3A_23 = arith.constant 57344 : i32
    %mul3A_24 = arith.muli %arg0, %mul3A_23 : i32
    %scan3A = arith.constant 0 : i32
    %scan3A_25 = arith.constant 0 : i32
    %scan3A_26 = arith.constant 64 : i32
    %scan3A_27 = arith.addi %scan3A_25, %scan3A_26 : i32
    %scan3A_28 = arith.constant 1 : i32
    %scan3A_29 = scf.for %scan3A_70 = %scan3A_25 to %scan3A_27 step %scan3A_28 iter_args(%scan3A_71 = %scan3A) -> (i32)  : i32 {
      %mul3A_72 = arith.constant 16 : i32
      %mul3A_73 = arith.muli %scan3A_70, %mul3A_72 : i32
      %get3A = arith.index_cast %mul3A_73 : i32 to index
      %get3A_74 = tpu.vector_load %arg8[%get3A] {strides = array<i32>} : memref<1024xi32, #tpu.memory_space<vmem>>, vector<16xi32>,
      %get3A_75 = vector.shape_cast %get3A_74 : vector<16xi32> to vector<16xi32>
      %sub3A = vector.broadcast %mul3A_24 : i32 to vector<16xi32>
      %sub3A_76 = arith.subi %get3A_75, %sub3A : vector<16xi32>
      %lt3A = arith.constant 0 : i32
      %lt3A_77 = vector.broadcast %lt3A : i32 to vector<16xi32>
      %lt3A_78 = arith.cmpi slt, %sub3A_76, %lt3A_77 : vector<16xi32>
      %ge3A = arith.constant 57344 : i32
      %ge3A_79 = vector.broadcast %ge3A : i32 to vector<16xi32>
      %ge3A_80 = arith.cmpi sge, %sub3A_76, %ge3A_79 : vector<16xi32>
      %or3A = arith.ori %lt3A_78, %ge3A_80 : vector<16xi1>
      %jit3A = arith.constant 57344 : i32
      %broadcast_in_dim3A = vector.broadcast %jit3A : i32 to vector<16xi32>
      %select_n3A = arith.select %or3A, %broadcast_in_dim3A, %sub3A_76 : vector<16xi1>, vector<16xi32>
      %mul3A_81 = arith.constant 16 : i32
      %mul3A_82 = arith.muli %scan3A_70, %mul3A_81 : i32
      %swap3A = arith.index_cast %mul3A_82 : i32 to index
      %swap3A_83 = tpu.vector_load %arg10[%swap3A] {strides = array<i32>} : memref<1024xi32, #tpu.memory_space<vmem>>, vector<16xi32>,
      %swap3A_84 = vector.shape_cast %swap3A_83 : vector<16xi32> to vector<16xi32>
      %swap3A_85 = vector.shape_cast %select_n3A : vector<16xi32> to vector<16xi32>
      tpu.vector_store %arg10[%swap3A], %swap3A_85 {strides = array<i32>} : memref<1024xi32, #tpu.memory_space<vmem>>, vector<16xi32>,
      %scan3A_86 = arith.constant 0 : i32
      scf.yield %scan3A_86 : i32
    }
    %scan3A_30 = arith.constant 64 : i32
    %mul3A_31 = arith.constant 57344 : i32
    %mul3A_32 = arith.muli %arg0, %mul3A_31 : i32
    %scan3A_33 = arith.constant 0 : i32
    %scan3A_34 = arith.constant 0 : i32
    %scan3A_35 = arith.constant 64 : i32
    %scan3A_36 = arith.addi %scan3A_34, %scan3A_35 : i32
    %scan3A_37 = arith.constant 1 : i32
    %scan3A_38 = scf.for %scan3A_70 = %scan3A_34 to %scan3A_36 step %scan3A_37 iter_args(%scan3A_71 = %scan3A_33) -> (i32)  : i32 {
      %mul3A_72 = arith.constant 16 : i32
      %mul3A_73 = arith.muli %scan3A_70, %mul3A_72 : i32
      %get3A = arith.index_cast %mul3A_73 : i32 to index
      %get3A_74 = tpu.vector_load %arg9[%get3A] {strides = array<i32>} : memref<1024xi32, #tpu.memory_space<vmem>>, vector<16xi32>,
      %get3A_75 = vector.shape_cast %get3A_74 : vector<16xi32> to vector<16xi32>
      %sub3A = vector.broadcast %mul3A_32 : i32 to vector<16xi32>
      %sub3A_76 = arith.subi %get3A_75, %sub3A : vector<16xi32>
      %lt3A = arith.constant 0 : i32
      %lt3A_77 = vector.broadcast %lt3A : i32 to vector<16xi32>
      %lt3A_78 = arith.cmpi slt, %sub3A_76, %lt3A_77 : vector<16xi32>
      %ge3A = arith.constant 57344 : i32
      %ge3A_79 = vector.broadcast %ge3A : i32 to vector<16xi32>
      %ge3A_80 = arith.cmpi sge, %sub3A_76, %ge3A_79 : vector<16xi32>
      %or3A = arith.ori %lt3A_78, %ge3A_80 : vector<16xi1>
      %jit3A = arith.constant 57344 : i32
      %broadcast_in_dim3A = vector.broadcast %jit3A : i32 to vector<16xi32>
      %select_n3A = arith.select %or3A, %broadcast_in_dim3A, %sub3A_76 : vector<16xi1>, vector<16xi32>
      %mul3A_81 = arith.constant 16 : i32
      %mul3A_82 = arith.muli %scan3A_70, %mul3A_81 : i32
      %swap3A = arith.index_cast %mul3A_82 : i32 to index
      %swap3A_83 = tpu.vector_load %arg11[%swap3A] {strides = array<i32>} : memref<1024xi32, #tpu.memory_space<vmem>>, vector<16xi32>,
      %swap3A_84 = vector.shape_cast %swap3A_83 : vector<16xi32> to vector<16xi32>
      %swap3A_85 = vector.shape_cast %select_n3A : vector<16xi32> to vector<16xi32>
      tpu.vector_store %arg11[%swap3A], %swap3A_85 {strides = array<i32>} : memref<1024xi32, #tpu.memory_space<vmem>>, vector<16xi32>,
      %scan3A_86 = arith.constant 0 : i32
      scf.yield %scan3A_86 : i32
    }
    %scan3A_39 = arith.constant 64 : i32
    %barrier3A = arith.constant 0 : index
    tpu.barrier barrier_id(%barrier3A)
    %dma_start3A_40 = arith.constant 0 : i32
    %dma_start3A_41 = tpu.memref_slice %arg13[%dma_start3A_40] : memref<57352xf32, #tpu.memory_space<vmem_shared>> -> memref<57352xf32, #tpu.memory_space<vmem_shared>>
    tpu.enqueue_indirect_dma source(%arg12 : memref<1024xf32, #tpu.memory_space<vmem>>) target(%dma_start3A_41 : memref<57352xf32, #tpu.memory_space<vmem_shared>>) offsets(%arg10 : memref<1024xi32, #tpu.memory_space<vmem>>) semaphore(%arg15 : memref<!tpu.dma_semaphore, #tpu.memory_space<semaphore_mem>>) {add = true}
    %dma_start3A_42 = arith.constant 0 : i32
    %dma_start3A_43 = tpu.memref_slice %arg14[%dma_start3A_42] : memref<57352xf32, #tpu.memory_space<vmem_shared>> -> memref<57352xf32, #tpu.memory_space<vmem_shared>>
    tpu.enqueue_indirect_dma source(%arg12 : memref<1024xf32, #tpu.memory_space<vmem>>) target(%dma_start3A_43 : memref<57352xf32, #tpu.memory_space<vmem_shared>>) offsets(%arg11 : memref<1024xi32, #tpu.memory_space<vmem>>) semaphore(%arg15 : memref<!tpu.dma_semaphore, #tpu.memory_space<semaphore_mem>>) {add = true}
    %dma_wait3A_44 = arith.constant 0 : i32
    %dma_wait3A_45 = tpu.memref_slice %arg13[%dma_wait3A_44] : memref<57352xf32, #tpu.memory_space<vmem_shared>> -> memref<57352xf32, #tpu.memory_space<vmem_shared>>
    tpu.wait_indirect_dma semaphore(%arg15 : memref<!tpu.dma_semaphore, #tpu.memory_space<semaphore_mem>>) src(%arg12 : memref<1024xf32, #tpu.memory_space<vmem>>) dst(%dma_wait3A_45 : memref<57352xf32, #tpu.memory_space<vmem_shared>>)
    %dma_wait3A_46 = arith.constant 0 : i32
    %dma_wait3A_47 = tpu.memref_slice %arg14[%dma_wait3A_46] : memref<57352xf32, #tpu.memory_space<vmem_shared>> -> memref<57352xf32, #tpu.memory_space<vmem_shared>>
    tpu.wait_indirect_dma semaphore(%arg15 : memref<!tpu.dma_semaphore, #tpu.memory_space<semaphore_mem>>) src(%arg12 : memref<1024xf32, #tpu.memory_space<vmem>>) dst(%dma_wait3A_47 : memref<57352xf32, #tpu.memory_space<vmem_shared>>)
    %barrier3A_48 = arith.constant 0 : index
    tpu.barrier barrier_id(%barrier3A_48)
    %mul3A_49 = arith.constant 3584 : i32
    %mul3A_50 = arith.muli %arg1, %mul3A_49 : i32
    %mul3A_51 = arith.constant 57344 : i32
    %mul3A_52 = arith.muli %arg0, %mul3A_51 : i32
    %mul3A_53 = arith.constant 3584 : i32
    %mul3A_54 = arith.muli %arg1, %mul3A_53 : i32
    %add3A = arith.addi %mul3A_52, %mul3A_54 : i32
    %dma_start3A_55 = tpu.memref_slice %arg6[%add3A] : memref<114688xf32, #tpu.memory_space<hbm>> -> memref<3584xf32, #tpu.memory_space<hbm>>
    %dma_start3A_56 = tpu.memref_slice %arg13[%mul3A_50] : memref<57352xf32, #tpu.memory_space<vmem_shared>> -> memref<3584xf32, #tpu.memory_space<vmem_shared>>
    tpu.enqueue_dma source(%dma_start3A_56 : memref<3584xf32, #tpu.memory_space<vmem_shared>>) target(%dma_start3A_55 : memref<3584xf32, #tpu.memory_space<hbm>>) target_semaphore(%arg15 : memref<!tpu.dma_semaphore, #tpu.memory_space<semaphore_mem>>)
    %mul3A_57 = arith.constant 3584 : i32
    %mul3A_58 = arith.muli %arg1, %mul3A_57 : i32
    %mul3A_59 = arith.constant 57344 : i32
    %mul3A_60 = arith.muli %arg0, %mul3A_59 : i32
    %mul3A_61 = arith.constant 3584 : i32
    %mul3A_62 = arith.muli %arg1, %mul3A_61 : i32
    %add3A_63 = arith.addi %mul3A_60, %mul3A_62 : i32
    %dma_start3A_64 = tpu.memref_slice %arg7[%add3A_63] : memref<114688xf32, #tpu.memory_space<hbm>> -> memref<3584xf32, #tpu.memory_space<hbm>>
    %dma_start3A_65 = tpu.memref_slice %arg14[%mul3A_58] : memref<57352xf32, #tpu.memory_space<vmem_shared>> -> memref<3584xf32, #tpu.memory_space<vmem_shared>>
    tpu.enqueue_dma source(%dma_start3A_65 : memref<3584xf32, #tpu.memory_space<vmem_shared>>) target(%dma_start3A_64 : memref<3584xf32, #tpu.memory_space<hbm>>) target_semaphore(%arg15 : memref<!tpu.dma_semaphore, #tpu.memory_space<semaphore_mem>>)
    %dma_wait3A_66 = tpu.memref_slice %arg6[%add3A] : memref<114688xf32, #tpu.memory_space<hbm>> -> memref<3584xf32, #tpu.memory_space<hbm>>
    %dma_wait3A_67 = tpu.memref_slice %arg13[%mul3A_50] : memref<57352xf32, #tpu.memory_space<vmem_shared>> -> memref<3584xf32, #tpu.memory_space<vmem_shared>>
    tpu.wait_dma2 semaphore(%arg15 : memref<!tpu.dma_semaphore, #tpu.memory_space<semaphore_mem>>) src(%dma_wait3A_67 : memref<3584xf32, #tpu.memory_space<vmem_shared>>) dst(%dma_wait3A_66 : memref<3584xf32, #tpu.memory_space<hbm>>)
    %dma_wait3A_68 = tpu.memref_slice %arg7[%add3A_63] : memref<114688xf32, #tpu.memory_space<hbm>> -> memref<3584xf32, #tpu.memory_space<hbm>>
    %dma_wait3A_69 = tpu.memref_slice %arg14[%mul3A_58] : memref<57352xf32, #tpu.memory_space<vmem_shared>> -> memref<3584xf32, #tpu.memory_space<vmem_shared>>
    tpu.wait_dma2 semaphore(%arg15 : memref<!tpu.dma_semaphore, #tpu.memory_space<semaphore_mem>>) src(%dma_wait3A_69 : memref<3584xf32, #tpu.memory_space<vmem_shared>>) dst(%dma_wait3A_68 : memref<3584xf32, #tpu.memory_space<hbm>>)
    return
  }
}

#map = affine_map<(d0, d1) -> (0)>
module attributes {stable_mosaic.version = 14 : i64} {
  func.func @body(%arg0: i32, %arg1: i32, %arg2: memref<16384xi32, #tpu.memory_space<hbm>>, %arg3: memref<31744xf32, #tpu.memory_space<hbm>>, %arg4: memref<1024xf32, #tpu.memory_space<hbm>>, %arg5: memref<1015808xf32, #tpu.memory_space<hbm>>, %arg6: memref<1024xi32, #tpu.memory_space<vmem>>, %arg7: memref<1024xi32, #tpu.memory_space<vmem>>, %arg8: memref<1024xf32, #tpu.memory_space<vmem>>, %arg9: memref<507912xf32, #tpu.memory_space<vmem_shared>>, %arg10: memref<!tpu.dma_semaphore, #tpu.memory_space<semaphore_mem>>) attributes {dimension_semantics = [#tpu.dimension_semantics<core_parallel>, #tpu.dimension_semantics<subcore_parallel>], iteration_bounds = array<i64: 2, 16>, scalar_prefetch = 0 : i64, scratch_operands = 5 : i64, tpu.core_type = #tpu.core_type<sc_vector_subcore>, window_params = [{transform_indices = #map}, {transform_indices = #map}, {transform_indices = #map}, {transform_indices = #map}]} {
    %mul3A = arith.constant 1024 : i32
    %mul3A_0 = arith.muli %arg1, %mul3A : i32
    %mul3A_1 = arith.constant 31744 : i32
    %mul3A_2 = arith.muli %arg1, %mul3A_1 : i32
    %dma_start3A = tpu.memref_slice %arg9[%mul3A_2] : memref<507912xf32, #tpu.memory_space<vmem_shared>> -> memref<31744xf32, #tpu.memory_space<vmem_shared>>
    %dma_start3A_3 = arith.constant 0 : i32
    %dma_start3A_4 = tpu.memref_slice %arg3[%dma_start3A_3] : memref<31744xf32, #tpu.memory_space<hbm>> -> memref<31744xf32, #tpu.memory_space<hbm>>
    tpu.enqueue_dma source(%dma_start3A_4 : memref<31744xf32, #tpu.memory_space<hbm>>) target(%dma_start3A : memref<31744xf32, #tpu.memory_space<vmem_shared>>) target_semaphore(%arg10 : memref<!tpu.dma_semaphore, #tpu.memory_space<semaphore_mem>>)
    tpu.enqueue_dma source(%arg4 : memref<1024xf32, #tpu.memory_space<hbm>>) target(%arg8 : memref<1024xf32, #tpu.memory_space<vmem>>) target_semaphore(%arg10 : memref<!tpu.dma_semaphore, #tpu.memory_space<semaphore_mem>>)
    %dma_start3A_5 = tpu.memref_slice %arg2[%mul3A_0] : memref<16384xi32, #tpu.memory_space<hbm>> -> memref<1024xi32, #tpu.memory_space<hbm>>
    %dma_start3A_6 = tpu.memref_slice %arg2[%mul3A_0] : memref<16384xi32, #tpu.memory_space<hbm>> -> memref<1024xi32, #tpu.memory_space<hbm>>
    tpu.enqueue_dma source(%dma_start3A_6 : memref<1024xi32, #tpu.memory_space<hbm>>) target(%arg6 : memref<1024xi32, #tpu.memory_space<vmem>>) target_semaphore(%arg10 : memref<!tpu.dma_semaphore, #tpu.memory_space<semaphore_mem>>)
    %dma_wait3A = tpu.memref_slice %arg9[%mul3A_2] : memref<507912xf32, #tpu.memory_space<vmem_shared>> -> memref<31744xf32, #tpu.memory_space<vmem_shared>>
    %dma_wait3A_7 = arith.constant 0 : i32
    %dma_wait3A_8 = tpu.memref_slice %arg3[%dma_wait3A_7] : memref<31744xf32, #tpu.memory_space<hbm>> -> memref<31744xf32, #tpu.memory_space<hbm>>
    tpu.wait_dma2 semaphore(%arg10 : memref<!tpu.dma_semaphore, #tpu.memory_space<semaphore_mem>>) src(%dma_wait3A_8 : memref<31744xf32, #tpu.memory_space<hbm>>) dst(%dma_wait3A : memref<31744xf32, #tpu.memory_space<vmem_shared>>)
    tpu.wait_dma2 semaphore(%arg10 : memref<!tpu.dma_semaphore, #tpu.memory_space<semaphore_mem>>) src(%arg4 : memref<1024xf32, #tpu.memory_space<hbm>>) dst(%arg8 : memref<1024xf32, #tpu.memory_space<vmem>>)
    %dma_wait3A_9 = tpu.memref_slice %arg2[%mul3A_0] : memref<16384xi32, #tpu.memory_space<hbm>> -> memref<1024xi32, #tpu.memory_space<hbm>>
    %dma_wait3A_10 = tpu.memref_slice %arg2[%mul3A_0] : memref<16384xi32, #tpu.memory_space<hbm>> -> memref<1024xi32, #tpu.memory_space<hbm>>
    tpu.wait_dma2 semaphore(%arg10 : memref<!tpu.dma_semaphore, #tpu.memory_space<semaphore_mem>>) src(%dma_wait3A_10 : memref<1024xi32, #tpu.memory_space<hbm>>) dst(%arg6 : memref<1024xi32, #tpu.memory_space<vmem>>)
    %mul3A_11 = arith.constant 507904 : i32
    %mul3A_12 = arith.muli %arg0, %mul3A_11 : i32
    %scan3A = arith.constant 0 : i32
    %scan3A_13 = arith.constant 0 : i32
    %scan3A_14 = arith.constant 64 : i32
    %scan3A_15 = arith.addi %scan3A_13, %scan3A_14 : i32
    %scan3A_16 = arith.constant 1 : i32
    %scan3A_17 = scf.for %scan3A_34 = %scan3A_13 to %scan3A_15 step %scan3A_16 iter_args(%scan3A_35 = %scan3A) -> (i32)  : i32 {
      %mul3A_36 = arith.constant 16 : i32
      %mul3A_37 = arith.muli %scan3A_34, %mul3A_36 : i32
      %get3A = arith.index_cast %mul3A_37 : i32 to index
      %get3A_38 = tpu.vector_load %arg6[%get3A] {strides = array<i32>} : memref<1024xi32, #tpu.memory_space<vmem>>, vector<16xi32>,
      %get3A_39 = vector.shape_cast %get3A_38 : vector<16xi32> to vector<16xi32>
      %sub3A = vector.broadcast %mul3A_12 : i32 to vector<16xi32>
      %sub3A_40 = arith.subi %get3A_39, %sub3A : vector<16xi32>
      %lt3A = arith.constant 0 : i32
      %lt3A_41 = vector.broadcast %lt3A : i32 to vector<16xi32>
      %lt3A_42 = arith.cmpi slt, %sub3A_40, %lt3A_41 : vector<16xi32>
      %ge3A = arith.constant 507904 : i32
      %ge3A_43 = vector.broadcast %ge3A : i32 to vector<16xi32>
      %ge3A_44 = arith.cmpi sge, %sub3A_40, %ge3A_43 : vector<16xi32>
      %or3A = arith.ori %lt3A_42, %ge3A_44 : vector<16xi1>
      %jit3A = arith.constant 507904 : i32
      %broadcast_in_dim3A = vector.broadcast %jit3A : i32 to vector<16xi32>
      %select_n3A = arith.select %or3A, %broadcast_in_dim3A, %sub3A_40 : vector<16xi1>, vector<16xi32>
      %mul3A_45 = arith.constant 16 : i32
      %mul3A_46 = arith.muli %scan3A_34, %mul3A_45 : i32
      %swap3A = arith.index_cast %mul3A_46 : i32 to index
      %swap3A_47 = tpu.vector_load %arg7[%swap3A] {strides = array<i32>} : memref<1024xi32, #tpu.memory_space<vmem>>, vector<16xi32>,
      %swap3A_48 = vector.shape_cast %swap3A_47 : vector<16xi32> to vector<16xi32>
      %swap3A_49 = vector.shape_cast %select_n3A : vector<16xi32> to vector<16xi32>
      tpu.vector_store %arg7[%swap3A], %swap3A_49 {strides = array<i32>} : memref<1024xi32, #tpu.memory_space<vmem>>, vector<16xi32>,
      %scan3A_50 = arith.constant 0 : i32
      scf.yield %scan3A_50 : i32
    }
    %scan3A_18 = arith.constant 64 : i32
    %barrier3A = arith.constant 0 : index
    tpu.barrier barrier_id(%barrier3A)
    %dma_start3A_19 = arith.constant 0 : i32
    %dma_start3A_20 = tpu.memref_slice %arg9[%dma_start3A_19] : memref<507912xf32, #tpu.memory_space<vmem_shared>> -> memref<507912xf32, #tpu.memory_space<vmem_shared>>
    tpu.enqueue_indirect_dma source(%arg8 : memref<1024xf32, #tpu.memory_space<vmem>>) target(%dma_start3A_20 : memref<507912xf32, #tpu.memory_space<vmem_shared>>) offsets(%arg7 : memref<1024xi32, #tpu.memory_space<vmem>>) semaphore(%arg10 : memref<!tpu.dma_semaphore, #tpu.memory_space<semaphore_mem>>) {add = true}
    %dma_wait3A_21 = arith.constant 0 : i32
    %dma_wait3A_22 = tpu.memref_slice %arg9[%dma_wait3A_21] : memref<507912xf32, #tpu.memory_space<vmem_shared>> -> memref<507912xf32, #tpu.memory_space<vmem_shared>>
    tpu.wait_indirect_dma semaphore(%arg10 : memref<!tpu.dma_semaphore, #tpu.memory_space<semaphore_mem>>) src(%arg8 : memref<1024xf32, #tpu.memory_space<vmem>>) dst(%dma_wait3A_22 : memref<507912xf32, #tpu.memory_space<vmem_shared>>)
    %barrier3A_23 = arith.constant 0 : index
    tpu.barrier barrier_id(%barrier3A_23)
    %mul3A_24 = arith.constant 31744 : i32
    %mul3A_25 = arith.muli %arg1, %mul3A_24 : i32
    %mul3A_26 = arith.constant 507904 : i32
    %mul3A_27 = arith.muli %arg0, %mul3A_26 : i32
    %mul3A_28 = arith.constant 31744 : i32
    %mul3A_29 = arith.muli %arg1, %mul3A_28 : i32
    %add3A = arith.addi %mul3A_27, %mul3A_29 : i32
    %dma_start3A_30 = tpu.memref_slice %arg5[%add3A] : memref<1015808xf32, #tpu.memory_space<hbm>> -> memref<31744xf32, #tpu.memory_space<hbm>>
    %dma_start3A_31 = tpu.memref_slice %arg9[%mul3A_25] : memref<507912xf32, #tpu.memory_space<vmem_shared>> -> memref<31744xf32, #tpu.memory_space<vmem_shared>>
    tpu.enqueue_dma source(%dma_start3A_31 : memref<31744xf32, #tpu.memory_space<vmem_shared>>) target(%dma_start3A_30 : memref<31744xf32, #tpu.memory_space<hbm>>) target_semaphore(%arg10 : memref<!tpu.dma_semaphore, #tpu.memory_space<semaphore_mem>>)
    %dma_wait3A_32 = tpu.memref_slice %arg5[%add3A] : memref<1015808xf32, #tpu.memory_space<hbm>> -> memref<31744xf32, #tpu.memory_space<hbm>>
    %dma_wait3A_33 = tpu.memref_slice %arg9[%mul3A_25] : memref<507912xf32, #tpu.memory_space<vmem_shared>> -> memref<31744xf32, #tpu.memory_space<vmem_shared>>
    tpu.wait_dma2 semaphore(%arg10 : memref<!tpu.dma_semaphore, #tpu.memory_space<semaphore_mem>>) src(%dma_wait3A_33 : memref<31744xf32, #tpu.memory_space<vmem_shared>>) dst(%dma_wait3A_32 : memref<31744xf32, #tpu.memory_space<hbm>>)
    return
  }
}

module attributes {stable_mosaic.version = 14 : i64} {
  func.func @_mv_item_kernel(%arg0: i32, %arg1: memref<64x32768xf32, #tpu.memory_space<vmem>>, %arg2: memref<1x32768xf32, #tpu.memory_space<vmem>>, %arg3: memref<64x1xf32, #tpu.memory_space<vmem>>) attributes {dimension_semantics = [#tpu.dimension_semantics<arbitrary>], iteration_bounds = array<i64: 31>, scalar_prefetch = 0 : i64, scratch_operands = 0 : i64, tpu.core_type = #tpu.core_type<tc>, window_params = [{transform_indices = @transform_0, window_bounds = array<i64: 64, 32768>}, {transform_indices = @transform_1, window_bounds = array<i64: 1, 32768>}, {pipeline_mode = #tpu.pipeline_mode<synchronous>, transform_indices = @transform_2, window_bounds = array<i64: 64, 1>}]} {
    %eq3A = arith.constant 0 : i32
    %eq3A_0 = arith.cmpi eq, %arg0, %eq3A : i32
    %convert_element_type3A = arith.extui %eq3A_0 : i1 to i32
    %cond3A = arith.constant 0 : i32
    %cond3A_1 = arith.cmpi ne, %convert_element_type3A, %cond3A : i32
    scf.if %cond3A_1 {
      %broadcast_in_dim3A = arith.constant 0.000000e+00 : f32
      %broadcast_in_dim3A_13 = vector.broadcast %broadcast_in_dim3A : f32 to vector<64x1xf32>
      %swap3A_14 = arith.constant 0 : index
      %swap3A_15 = arith.constant 0 : index
      %swap3A_16 = vector.load %arg3[%swap3A_14, %swap3A_15] : memref<64x1xf32, #tpu.memory_space<vmem>>, vector<64x1xf32>
      tpu.vector_store %arg3[%swap3A_14, %swap3A_15], %broadcast_in_dim3A_13 {strides = array<i32>} : memref<64x1xf32, #tpu.memory_space<vmem>>, vector<64x1xf32>,
    } else {
    }
    %get3A = arith.constant 0 : index
    %get3A_2 = arith.constant 0 : index
    %get3A_3 = vector.load %arg3[%get3A, %get3A_2] : memref<64x1xf32, #tpu.memory_space<vmem>>, vector<64x1xf32>
    %get3A_4 = arith.constant 0 : index
    %get3A_5 = arith.constant 0 : index
    %get3A_6 = vector.load %arg1[%get3A_4, %get3A_5] : memref<64x32768xf32, #tpu.memory_space<vmem>>, vector<64x32768xf32>
    %get3A_7 = arith.constant 0 : index
    %get3A_8 = arith.constant 0 : index
    %get3A_9 = vector.load %arg2[%get3A_7, %get3A_8] : memref<1x32768xf32, #tpu.memory_space<vmem>>, vector<1x32768xf32>
    %dot_general3A = arith.constant dense<0.000000e+00> : vector<64x1xf32>
    %dot_general3A_10 = tpu.matmul %get3A_6, %get3A_9, %dot_general3A {dimension_numbers = #tpu.dot_dimension_numbers<[1], [1], [0], [0], [0, 0, 1, 0], [], []>, transpose_lhs_hint = false} : vector<64x32768xf32>, vector<1x32768xf32>, vector<64x1xf32> -> vector<64x1xf32>
    %add3A = arith.addf %get3A_3, %dot_general3A_10 : vector<64x1xf32>
    %swap3A = arith.constant 0 : index
    %swap3A_11 = arith.constant 0 : index
    %swap3A_12 = vector.load %arg3[%swap3A, %swap3A_11] : memref<64x1xf32, #tpu.memory_space<vmem>>, vector<64x1xf32>
    tpu.vector_store %arg3[%swap3A, %swap3A_11], %add3A {strides = array<i32>} : memref<64x1xf32, #tpu.memory_space<vmem>>, vector<64x1xf32>,
    return
  }
  func.func @transform_0(%arg0: i32) -> (i32, i32) {
    %c0_i32 = arith.constant 0 : i32
    %c0_i32_0 = arith.constant 0 : i32
    return %c0_i32, %arg0 : i32, i32
  }
  func.func @transform_1(%arg0: i32) -> (i32, i32) {
    %c0_i32 = arith.constant 0 : i32
    %c0_i32_0 = arith.constant 0 : i32
    return %c0_i32, %arg0 : i32, i32
  }
  func.func @transform_2(%arg0: i32) -> (i32, i32) {
    %c0_i32 = arith.constant 0 : i32
    %c0_i32_0 = arith.constant 0 : i32
    %c0_i32_1 = arith.constant 0 : i32
    return %c0_i32, %c0_i32_0 : i32, i32
  }
}

module attributes {stable_mosaic.version = 14 : i64} {
  func.func @_mv_small_head_kernel(%arg0: i32, %arg1: memref<64x16384xf32, #tpu.memory_space<vmem>>, %arg2: memref<64x16384xf32, #tpu.memory_space<vmem>>, %arg3: memref<1x16384xf32, #tpu.memory_space<vmem>>, %arg4: memref<1x16384xf32, #tpu.memory_space<vmem>>, %arg5: memref<64x1xf32, #tpu.memory_space<vmem>>, %arg6: memref<64x2xf32, #tpu.memory_space<vmem>>, %arg7: memref<1x2xf32, #tpu.memory_space<vmem>>, %arg8: memref<1x2xf32, #tpu.memory_space<vmem>>, %arg9: memref<64x1xf32, #tpu.memory_space<vmem>>) attributes {dimension_semantics = [#tpu.dimension_semantics<arbitrary>], iteration_bounds = array<i64: 7>, scalar_prefetch = 0 : i64, scratch_operands = 1 : i64, tpu.core_type = #tpu.core_type<tc>, window_params = [{transform_indices = @transform_0, window_bounds = array<i64: 64, 16384>}, {transform_indices = @transform_1, window_bounds = array<i64: 64, 16384>}, {transform_indices = @transform_2, window_bounds = array<i64: 1, 16384>}, {transform_indices = @transform_3, window_bounds = array<i64: 1, 16384>}, {pipeline_mode = #tpu.pipeline_mode<synchronous>, transform_indices = @transform_4, window_bounds = array<i64: 64, 1>}, {pipeline_mode = #tpu.pipeline_mode<synchronous>, transform_indices = @transform_5, window_bounds = array<i64: 64, 2>}, {pipeline_mode = #tpu.pipeline_mode<synchronous>, transform_indices = @transform_6, window_bounds = array<i64: 1, 2>}, {pipeline_mode = #tpu.pipeline_mode<synchronous>, transform_indices = @transform_7, window_bounds = array<i64: 1, 2>}]} {
    %eq3A = arith.constant 0 : i32
    %eq3A_0 = arith.cmpi eq, %arg0, %eq3A : i32
    %convert_element_type3A = arith.extui %eq3A_0 : i1 to i32
    %cond3A = arith.constant 0 : i32
    %cond3A_1 = arith.cmpi ne, %convert_element_type3A, %cond3A : i32
    scf.if %cond3A_1 {
      %broadcast_in_dim3A = arith.constant 0.000000e+00 : f32
      %broadcast_in_dim3A_27 = vector.broadcast %broadcast_in_dim3A : f32 to vector<64x1xf32>
      %swap3A_28 = arith.constant 0 : index
      %swap3A_29 = arith.constant 0 : index
      %swap3A_30 = vector.load %arg9[%swap3A_28, %swap3A_29] : memref<64x1xf32, #tpu.memory_space<vmem>>, vector<64x1xf32>
      tpu.vector_store %arg9[%swap3A_28, %swap3A_29], %broadcast_in_dim3A_27 {strides = array<i32>} : memref<64x1xf32, #tpu.memory_space<vmem>>, vector<64x1xf32>,
    } else {
    }
    %get3A = arith.constant 0 : index
    %get3A_2 = arith.constant 0 : index
    %get3A_3 = vector.load %arg9[%get3A, %get3A_2] : memref<64x1xf32, #tpu.memory_space<vmem>>, vector<64x1xf32>
    %get3A_4 = arith.constant 0 : index
    %get3A_5 = arith.constant 0 : index
    %get3A_6 = vector.load %arg1[%get3A_4, %get3A_5] : memref<64x16384xf32, #tpu.memory_space<vmem>>, vector<64x16384xf32>
    %get3A_7 = arith.constant 0 : index
    %get3A_8 = arith.constant 0 : index
    %get3A_9 = vector.load %arg3[%get3A_7, %get3A_8] : memref<1x16384xf32, #tpu.memory_space<vmem>>, vector<1x16384xf32>
    %dot_general3A = arith.constant dense<0.000000e+00> : vector<64x1xf32>
    %dot_general3A_10 = tpu.matmul %get3A_6, %get3A_9, %dot_general3A {dimension_numbers = #tpu.dot_dimension_numbers<[1], [1], [0], [0], [0, 0, 1, 0], [], []>, transpose_lhs_hint = false} : vector<64x16384xf32>, vector<1x16384xf32>, vector<64x1xf32> -> vector<64x1xf32>
    %get3A_11 = arith.constant 0 : index
    %get3A_12 = arith.constant 0 : index
    %get3A_13 = vector.load %arg2[%get3A_11, %get3A_12] : memref<64x16384xf32, #tpu.memory_space<vmem>>, vector<64x16384xf32>
    %get3A_14 = arith.constant 0 : index
    %get3A_15 = arith.constant 0 : index
    %get3A_16 = vector.load %arg4[%get3A_14, %get3A_15] : memref<1x16384xf32, #tpu.memory_space<vmem>>, vector<1x16384xf32>
    %dot_general3A_17 = arith.constant dense<0.000000e+00> : vector<64x1xf32>
    %dot_general3A_18 = tpu.matmul %get3A_13, %get3A_16, %dot_general3A_17 {dimension_numbers = #tpu.dot_dimension_numbers<[1], [1], [0], [0], [0, 0, 1, 0], [], []>, transpose_lhs_hint = false} : vector<64x16384xf32>, vector<1x16384xf32>, vector<64x1xf32> -> vector<64x1xf32>
    %add3A = arith.addf %dot_general3A_10, %dot_general3A_18 : vector<64x1xf32>
    %add3A_19 = arith.addf %get3A_3, %add3A : vector<64x1xf32>
    %swap3A = arith.constant 0 : index
    %swap3A_20 = arith.constant 0 : index
    %swap3A_21 = vector.load %arg9[%swap3A, %swap3A_20] : memref<64x1xf32, #tpu.memory_space<vmem>>, vector<64x1xf32>
    tpu.vector_store %arg9[%swap3A, %swap3A_20], %add3A_19 {strides = array<i32>} : memref<64x1xf32, #tpu.memory_space<vmem>>, vector<64x1xf32>,
    %eq3A_22 = arith.constant 6 : i32
    %eq3A_23 = arith.cmpi eq, %arg0, %eq3A_22 : i32
    %convert_element_type3A_24 = arith.extui %eq3A_23 : i1 to i32
    %cond3A_25 = arith.constant 0 : i32
    %cond3A_26 = arith.cmpi ne, %convert_element_type3A_24, %cond3A_25 : i32
    scf.if %cond3A_26 {
      %get3A_27 = arith.constant 0 : index
      %get3A_28 = arith.constant 0 : index
      %get3A_29 = vector.load %arg9[%get3A_27, %get3A_28] : memref<64x1xf32, #tpu.memory_space<vmem>>, vector<64x1xf32>
      %get3A_30 = arith.constant 0 : index
      %get3A_31 = arith.constant 0 : index
      %get3A_32 = vector.load %arg5[%get3A_30, %get3A_31] : memref<64x1xf32, #tpu.memory_space<vmem>>, vector<64x1xf32>
      %add3A_33 = arith.addf %get3A_29, %get3A_32 : vector<64x1xf32>
      %mul3A = arith.constant 2.03450527E-5 : f32
      %mul3A_34 = vector.broadcast %mul3A : f32 to vector<64x1xf32>
      %mul3A_35 = arith.mulf %add3A_33, %mul3A_34 : vector<64x1xf32>
      %get3A_36 = arith.constant 0 : index
      %get3A_37 = arith.constant 0 : index
      %get3A_38 = vector.load %arg6[%get3A_36, %get3A_37] : memref<64x2xf32, #tpu.memory_space<vmem>>, vector<64x2xf32>
      %mul3A_39 = vector.broadcast %mul3A_35 : vector<64x1xf32> to vector<64x2xf32>
      %mul3A_40 = arith.mulf %mul3A_39, %get3A_38 : vector<64x2xf32>
      %reduce_sum3A = arith.constant dense<0.000000e+00> : vector<2xf32>
      %reduce_sum3A_41 = vector.multi_reduction <add>, %mul3A_40, %reduce_sum3A [0] : vector<64x2xf32> to vector<2xf32>
      %broadcast_in_dim3A = vector.shape_cast %reduce_sum3A_41 : vector<2xf32> to vector<1x2xf32>
      %get3A_42 = arith.constant 0 : index
      %get3A_43 = arith.constant 0 : index
      %get3A_44 = vector.load %arg7[%get3A_42, %get3A_43] : memref<1x2xf32, #tpu.memory_space<vmem>>, vector<1x2xf32>
      %add3A_45 = arith.addf %broadcast_in_dim3A, %get3A_44 : vector<1x2xf32>
      %swap3A_46 = arith.constant 0 : index
      %swap3A_47 = arith.constant 0 : index
      %swap3A_48 = vector.load %arg8[%swap3A_46, %swap3A_47] : memref<1x2xf32, #tpu.memory_space<vmem>>, vector<1x2xf32>
      tpu.vector_store %arg8[%swap3A_46, %swap3A_47], %add3A_45 {strides = array<i32>} : memref<1x2xf32, #tpu.memory_space<vmem>>, vector<1x2xf32>,
    } else {
    }
    return
  }
  func.func @transform_0(%arg0: i32) -> (i32, i32) {
    %c0_i32 = arith.constant 0 : i32
    %c0_i32_0 = arith.constant 0 : i32
    return %c0_i32, %arg0 : i32, i32
  }
  func.func @transform_1(%arg0: i32) -> (i32, i32) {
    %c0_i32 = arith.constant 0 : i32
    %c0_i32_0 = arith.constant 0 : i32
    return %c0_i32, %arg0 : i32, i32
  }
  func.func @transform_2(%arg0: i32) -> (i32, i32) {
    %c0_i32 = arith.constant 0 : i32
    %c0_i32_0 = arith.constant 0 : i32
    return %c0_i32, %arg0 : i32, i32
  }
  func.func @transform_3(%arg0: i32) -> (i32, i32) {
    %c0_i32 = arith.constant 0 : i32
    %c0_i32_0 = arith.constant 0 : i32
    return %c0_i32, %arg0 : i32, i32
  }
  func.func @transform_4(%arg0: i32) -> (i32, i32) {
    %c0_i32 = arith.constant 0 : i32
    %c0_i32_0 = arith.constant 0 : i32
    %c0_i32_1 = arith.constant 0 : i32
    return %c0_i32, %c0_i32_0 : i32, i32
  }
  func.func @transform_5(%arg0: i32) -> (i32, i32) {
    %c0_i32 = arith.constant 0 : i32
    %c0_i32_0 = arith.constant 0 : i32
    %c0_i32_1 = arith.constant 0 : i32
    return %c0_i32, %c0_i32_0 : i32, i32
  }
  func.func @transform_6(%arg0: i32) -> (i32, i32) {
    %c0_i32 = arith.constant 0 : i32
    %c0_i32_0 = arith.constant 0 : i32
    %c0_i32_1 = arith.constant 0 : i32
    return %c0_i32, %c0_i32_0 : i32, i32
  }
  func.func @transform_7(%arg0: i32) -> (i32, i32) {
    %c0_i32 = arith.constant 0 : i32
    %c0_i32_0 = arith.constant 0 : i32
    %c0_i32_1 = arith.constant 0 : i32
    return %c0_i32, %c0_i32_0 : i32, i32
  }
}

</mosaic_0001>

<sc_bundles>
// kernel: kernel.6.cloned.1.call-start
scs
__scs_entry_jumppad:
0x0: {  	(pc) =	sbr.rel $0x88, $3  }
0x1: {  	(tag) =	ssettag $0x0;
	lr =	simm.s32 $0x1  }
0x2: {  	[smem:$0x3F99] =	sst lr;
	_ =	strace $0xD0000000  }
0x3: {  	_ = 	snop  }
0x4: {  	_ = 	snop  }
0x5: {  	_ = 	snop  }
0x6: {  	_ = 	snop  }
0x7: {  	_ = 	snop  }
__scs_overlays_trampoline_lowered:
0x8: {  	[smem:$0x3FA8] =	sst s0  }
0x9: {  	[smem:$0x3FA9] =	sst s1  }
0xa: {  	[smem:$0x3FAA] =	sst s2  }
0xb: {  	[smem:$0x3FAB] =	sst s3  }
0xc: {  	[smem:$0x3FAC] =	sst s4  }
0xd: {  	[smem:$0x3FAD] =	sst s5  }
0xe: {  	[smem:$0x3FAE] =	sst s6  }
0xf: {  	[smem:$0x3FAF] =	sst s7  }
0x10: {  	[smem:$0x3FB0] =	sst s8  }
0x11: {  	[smem:$0x3FB1] =	sst s9;
	s0 =	simm.s32 @!p0 $0x0  }
0x12: {  	s1 =	sld [smem:$0x3F97];
	s0 =	simm.s32 @p0 $0x1  }
0x13: {  	[smem:$0x3FB2] =	sst s0;
	s0 =	simm.s32 @!p1 $0x0  }
0x14: {  	s2 =	sld [smem:$0x3F96];
	s0 =	simm.s32 @p1 $0x1  }
0x15: {  	[smem:$0x3FB3] =	sst s0;
	s0 =	simm.s32 @!p2 $0x0  }
0x16: {  	s3 =	sld [smem:$0x3FDB];
	s0 =	simm.s32 @p2 $0x1  }
0x17: {  	s4 =	simm.s32 $0x1BF5;
	[smem:$0x3FB5] =	sst s0  }
0x18: {  	s0 =	sld [smem:$0x3F98];
	_ =	swait.ge [sflag:s4], $0x0  }
0x19: {  	s7 =	sld [smem:$0x3F99]  }
0x1a: {  	s8 =	sadd.s32 $0xFFFFE003, lr  }
0x1b: {  	s9 =	sadd.s32 $0xFFFFFEF7, lr;
	s5 =	simm.s32 $0xFFFFFFFF;
	p2 =	slt.u32 s8, $0xFFFFF086  }
0x1c: {  	p1 =	slt.u32 s9, $0xF7A;
	s5 =	simm.s32 @!p2 $0x0  }
0x1d: {  	s5 =	simm.s32 @p1 $0x1;
	p0 =	seq.s32 s7, s2  }
0x1e: {  	s7 =	smul.u32 @!p0 $0xF7A, s2;
	p2 =	seq.s32 @!p0 s5, $0x0  }
0x1f: {  	s9 =	smul.u32 $0xF7A, s1;
	s8 =	simm.s32 @!p0 $0x1BF5;
	p2 =	por !p2, p0  }
0x20: {  	[sflag:s8] =	ssyncset.s32 @!p0 $0xFFFFF086;
	s6 =	sadd.s32 @!p0 s3, s7;
	s7 =	simm.s32 @!p0 $0x108  }
0x21: {  	s3 =	sadd.s32 s3, s9;
	s6 =	sadd.s32 @!p0 $0x88, s6;
	s7 =	simm.s32 @p2 $0x1082  }
0x22: {  	[simem:s7], [sflag:s8] =	dma.local @!p0 [hbm:s6], $0xF7A  }
0x23: {  	s9 =	sor.u32 $0xD0000000, s2;
	s6 =	simm.s32 $0x108;
	_ =	swait.ge @!p0 [sflag:s8], $0x0  }
0x24: {  	s3 =	sadd.s32 $0x88, s3;
	s6 =	simm.s32 @!p1 $0x1082;
	[sflag:s4] =	ssyncset.s32 $0xFFFFF086  }
0x25: {  	[simem:s6], [sflag:s4] =	dma.local [hbm:s3], $0xF7A  }
0x26: {  	[smem:$0x3F99] =	sst s1;
	(tag) =	ssettag s2;
	_ =	strace s9  }
0x27: {  	s1 =	sld [smem:$0x3FA9]  }
0x28: {  	s2 =	sld [smem:$0x3FAA]  }
0x29: {  	s4 =	sld [smem:$0x3FAC]  }
0x2a: {  	p0 =	seq.s32 s5, $0x0;
	s5 =	sld [smem:$0x3FAD]  }
0x2b: {  	s6 =	sld [smem:$0x3FAE]  }
0x2c: {  	s7 =	sld [smem:$0x3FAF]  }
0x2d: {  	s3 =	simm.s32 $0x108;
	s8 =	sld [smem:$0x3FB0]  }
0x2e: {  	s3 =	simm.s32 @!p0 $0x1082;
	s9 =	sld [smem:$0x3FB1]  }
0x2f: {  	lr =	sadd.s32 s0, s3;
	s0 =	sld [smem:$0x3FA8]  }
0x30: {  	s3 =	sld [smem:$0x3FAB]  }
0x31: {  	[smem:$0x3FB4] =	sst s10  }
0x32: {  	s10 =	sld [smem:$0x3FB2];
	_ =	sdelay $0x3  }
0x33: {  	p0 =	seq.s32 s10, $0x1;
	s10 =	sld [smem:$0x3FB4];
	_ =	sdelay $0x3  }
0x34: {  	[smem:$0x3FB4] =	sst s10  }
0x35: {  	s10 =	sld [smem:$0x3FB3];
	_ =	sdelay $0x3  }
0x36: {  	p1 =	seq.s32 s10, $0x1;
	s10 =	sld [smem:$0x3FB4];
	_ =	sdelay $0x3  }
0x37: {  	[smem:$0x3FB4] =	sst s10  }
0x38: {  	s10 =	sld [smem:$0x3FB5]  }
0x39: {  	_ = 	snop;
	(pc) =	sbr.ind lr, $3  }
0x3a: {  	_ = 	snop  }
0x3b: {  	_ = 	snop  }
0x3c: {  	p2 =	seq.s32 s10, $0x1;
	s10 =	sld [smem:$0x3FB4]  }
0x3d: {  	_ =	shalt  }
0x3e: {  	_ =	shalt  }
0x3f: {  	_ =	shalt  }
0x40: {  	_ =	shalt  }
0x41: {  	_ =	shalt  }
0x42: {  	_ =	shalt  }
0x43: {  	_ =	shalt  }
0x44: {  	_ =	shalt  }
0x45: {  	_ =	shalt  }
0x46: {  	_ =	shalt  }
0x47: {  	_ =	shalt  }
0x48: {  	_ =	shalt  }
0x49: {  	_ =	shalt  }
0x4a: {  	_ =	shalt  }
0x4b: {  	_ =	shalt  }
0x4c: {  	_ =	shalt  }
0x4d: {  	_ =	shalt  }
0x4e: {  	_ =	shalt  }
0x4f: {  	_ =	shalt  }
0x50: {  	_ =	shalt  }
0x51: {  	_ =	shalt  }
0x52: {  	_ =	shalt  }
0x53: {  	_ =	shalt  }
0x54: {  	_ =	shalt  }
0x55: {  	_ =	shalt  }
0x56: {  	_ =	shalt  }
0x57: {  	_ =	shalt  }
0x58: {  	_ =	shalt  }
0x59: {  	_ =	shalt  }
0x5a: {  	_ =	shalt  }
0x5b: {  	_ =	shalt  }
0x5c: {  	_ =	shalt  }
0x5d: {  	_ =	shalt  }
0x5e: {  	_ =	shalt  }
0x5f: {  	_ =	shalt  }
0x60: {  	_ =	shalt  }
0x61: {  	_ =	shalt  }
0x62: {  	_ =	shalt  }
0x63: {  	_ =	shalt  }
0x64: {  	_ =	shalt  }
0x65: {  	_ =	shalt  }
0x66: {  	_ =	shalt  }
0x67: {  	_ =	shalt  }
0x68: {  	_ =	shalt  }
0x69: {  	_ =	shalt  }
0x6a: {  	_ =	shalt  }
0x6b: {  	_ =	shalt  }
0x6c: {  	_ =	shalt  }
0x6d: {  	_ =	shalt  }
0x6e: {  	_ =	shalt  }
0x6f: {  	_ =	shalt  }
0x70: {  	_ =	shalt  }
0x71: {  	_ =	shalt  }
0x72: {  	_ =	shalt  }
0x73: {  	_ =	shalt  }
0x74: {  	_ =	shalt  }
0x75: {  	_ =	shalt  }
0x76: {  	_ =	shalt  }
0x77: {  	_ =	shalt  }
0x78: {  	_ =	shalt  }
0x79: {  	_ =	shalt  }
0x7a: {  	_ =	shalt  }
0x7b: {  	_ =	shalt  }
0x7c: {  	_ =	shalt  }
0x7d: {  	_ =	shalt  }
0x7e: {  	_ =	shalt  }
0x7f: {  	_ =	shalt  }
0x80: {  	_ =	shalt  }
0x81: {  	_ =	shalt  }
0x82: {  	_ =	shalt  }
0x83: {  	_ =	shalt  }
0x84: {  	_ =	shalt  }
0x85: {  	_ =	shalt  }
0x86: {  	_ =	shalt  }
0x87: {  	_ =	shalt  }
.Lfunc_end0:
.L_simem_size_0:
called_computation_lowered:
.L_overlay_start_0:
0x88: {  	s2 =	sld [smem:$0x3FD9]  }
0x89: {  	s3 =	sld [smem:$0x3FFE];
	_ =	sdelay $0x1  }
0x8a: {  	s1 =	srdreg.scid  }
0x8b: {  	s0 =	sand.u32 $0x1, s1  }
0x8c: {  	s17 =	sshll.u32 s0, $0xA;
	s2 =	sadd.s32 s3, s2  }
0x8d: {  	s2 =	sadd.s32 s2, s17  }
0x8e: {  	[smem:$0x3FC0] =	sst s2  }
0x8f: {  	_ = 	snop  }
0x90: {  	s2 =	sld [smem:$0x3FC9];
	(tm) =	ssettm $0x1  }
0x91: {  	s18 =	sld [smem:$0x3FFB];
	_ =	sdelay $0x3  }
0x92: {  	_ =	strace s18  }
0x93: {  	s3 =	sld [smem:$0x3FFC];
	_ =	sdelay $0x3  }
0x94: {  	_ =	strace s3  }
0x95: {  	s3 =	sld [smem:$0x3FFD];
	_ =	sdelay $0x3  }
0x96: {  	_ =	strace s3  }
0x97: {  	_ =	strace $0x8FFFFFFF  }
0x98: {  	s19 =	sld [smem:$0x3FDB];
	_ =	sdelay $0x1  }
0x99: {  	s4 =	simm.s32 $_scs_section_size  }
0x9a: {  	s5 =	simm.s32 $_size__tile_overlayer_lowered;
	s6 =	simm.s32 $_tile_overlayer_lowered  }
0x9b: {  	s22 =	simm.s32 $0x1BFF;
	s21 =	sshll.u32 s6, $0x1;
	s3 =	sadd.s32 s4, s19  }
0x9c: {  	s7 =	simm.s32 $0x0;
	s20 =	sshll.u32 s5, $0x1;
	s5 =	sadd.s32 s21, s3  }
0x9d: {  	[timem:s7], [sflag:s22] =	dma.local [hbm:s5], s20  }
0x9e: {  	_ =	swait.ge [sflag:s22], s20  }
0x9f: {  	s4 =	ssub.s32 $0x0, s20;
	[sflag:s22] =	ssyncset.done $0x0  }
0xa0: {  	[sflag:s22] =	ssyncadd.s32 s4;
	_ =	sdelay $0x1  }
0xa1: {  	s23 =	simm.s32 $0x1B8B  }
0xa2: {  	_ =	swait.ge [sflag:s23], $0x1  }
0xa3: {  	[sflag:s23] =	ssyncset.done $0x0  }
0xa4: {  	s25 =	simm.s32 $0x1B8E;
	s24 =	sld [smem:$0x3FFE];
	[sflag:s23] =	ssyncadd.s32 $0xFFFFFFFF  }
0xa5: {  	s26 =	simm.s32 $execute0_lowered;
	[smem:$0x3FD2] =	sst s25  }
0xa6: {  	s5 =	sshll.u32 s26, $0x1;
	_ =	strace $0x80000046;
	[dreg:$0x1] =	wrdreg $0xFFFFFFFF  }
0xa7: {  	s28 =	simm.s32 $_size_execute0_lowered;
	s3 =	sadd.s32 s3, s5;
	[dreg:$0x0] =	wrdreg $0x0  }
0xa8: {  	s5 =	sshll.u32 s28, $0x1;
	[dreg:$0x2] =	wrdreg s3  }
0xa9: {  	[dreg:$0x3] =	wrdreg s5  }
0xaa: {  	[dreg:$0x4] =	wrdreg $0xC0  }
0xab: {  	_ =	task [dreg:s7], $0x5FFFF  }
0xac: {  	[dreg:$0x1] =	wrdreg $0xFFFFFFFF  }
0xad: {  	[dreg:$0x0] =	wrdreg $0x60  }
0xae: {  	[dreg:$0x2] =	wrdreg s2  }
0xaf: {  	[dreg:$0x3] =	wrdreg s24  }
0xb0: {  	[dreg:$0x4] =	wrdreg $0xC000  }
0xb1: {  	[dreg:$0x5] =	wrdreg $0x9  }
0xb2: {  	_ =	task.clear_ibuf [dreg:s7], $0x6FFFF;
	_ =	strace $0x90000046  }
0xb3: {  	s29 =	simm.s32 $0x9;
	_ =	strace $0x80000048  }
0xb4: {  	_ =	swait.ge [sflag:s29], $0x1  }
0xb5: {  	[sflag:s29] =	ssyncadd.s32 $0xFFFFFFFF  }
0xb6: {  	_ =	strace $0x90000048  }
0xb7: {  	_ =	sfence  }
0xb8: {  	s30 =	sld [smem:$0x0];
	_ =	sdelay $0x2  }
0xb9: {  	s31 =	sshll.u32 s1, $0xD;
	s1 =	sshrl.u32 s1, $0x2  }
0xba: {  	s3 =	sand.u32 $0x4000, s31;
	s1 =	sadd.s32 s1, s30  }
0xbb: {  	s0 =	sor.u32 s3, s0;
	s1 =	sshll.u32 s1, $0x11  }
0xbc: {  	s0 =	sor.u32 s1, s0  }
0xbd: {  	s0 =	sadd.s32 $0x8F2B, s0  }
0xbe: {  	[sflag:s0] =	ssyncadd.remote.s32 $0x1  }
0xbf: {  	_ =	sfence.sel $0xFFFF  }
0xc0: {  	[dreg:$0x0] =	wrdreg $0xFFFFFFFF;
	(pc) =	sbr.abs _section_cstart, $3  }
0xc1: {  	[dreg:$0x1] =	wrdreg $0xFFFFFFFF  }
0xc2: {  	_ =	task.clear_ibuf [dreg:s7], $0x2FFFF;
	_ =	strace $0x9FFFFFFF  }
0xc3: {  	(tm) =	ssettm $0x7FFFFFFF  }
tec
execute0_lowered:
.L_overlay_start_1:
0x0: {  	(tag) =	ssettag $0x1  }
0x1: {  	s7 =	rddreg [dreg:$0x0]  }
0x2: {  	s6 =	rddreg [dreg:$0x1];
	s1 =	srdreg.scid  }
0x3: {  	s0 =	stileid.u32;
	s2 =	rddreg [dreg:$0x2]  }
0x4: {  	s3 =	simm.s32 $0x0;
	s13 =	simm.s32 $0x400;
	s14 =	simm.s32 $0x0  }
0x5: {  	s4 =	sand.u32 $0x1, s1;
	s8 =	smul.u32 $0x7C00, s0;
	s1 =	rddreg [dreg:$0x3]  }
0x6: {  	[smem:$0x7FF] =	sst s3;
	s30 =	sshll.u32 s0, $0x6;
	s31 =	sshll.u32 s0, $0x7  }
0x7: {  	s12 =	smul.u32 $0x7C000, s4;
	_ =	strace $0x80000047;
	s9 =	ssub.s32 $0x2, s4  }
0x8: {  	s4 =	sadd.s32 $0x1400, s6;
	s7 =	sadd.s32 s7, s31;
	s11 =	sshrl.u32 s9, $0x1  }
0x9: {  	s29 =	sadd.s32 s8, s2;
	s5 =	sadd.s32 s8, s12;
	s9 =	ssub.s32 s9, s11  }
0xa: {  	s11 =	simm.s32 $0x800;
	v0 =	vmov s12;
	s12 =	simm.s32 $0x1;
	s10 =	sshrl.u32 s5, $0x3  }
0xb: {  	s5 =	sadd.s32 $0x2400, s6;
	s9 =	smax.u32 s9, $0x1;
	s10 =	sadd.s32 s10, s6  }
0xc: {  	s6 =	sor.u32 $0x1C01, s30;
	s8 =	sadd.s32 $0x2600, s10;
	s10 =	sshrl.u32 s29, $0x3  }
.LBB2_1:
0xd: {  	[spmem:s10], [sflag:s6] =	dma.local [hbm:s4], $0xF80  }
0xe: {  	[tilespmem:s11], [sflag:$0x1] =	stream.linear.gather [hbm4b:s5+s3], $0x400, $0x38;
	[tilespmem:$0x8808] =	vst v63  }
0xf: {  	_ = 	snop  }
0x10: {  	[tilespmem:s3], [sflag:$0x1] =	stream.linear.gather [hbm4b:s7+s3], $0x400, $0x38;
	[tilespmem:$0x8808] =	vst v63  }
0x11: {  	_ =	swait.ge [sflag:s12], $0xF80  }
0x12: {  	[sflag:s12] =	ssyncset.done $0x0  }
0x13: {  	[sflag:s12] =	ssyncadd.s32 $0xFFFFF080  }
0x14: {  	_ =	swait.ge [sflag:s12], $0x400  }
0x15: {  	[sflag:s12] =	ssyncset.done $0x0  }
0x16: {  	[sflag:s12] =	ssyncadd.s32 $0xFFFFFC00  }
0x17: {  	_ =	swait.ge [sflag:s12], $0x400  }
0x18: {  	[sflag:s12] =	ssyncset.done $0x0  }
0x19: {  	s15 =	simm.s32 $0x0;
	[sflag:s12] =	ssyncadd.s32 $0xFFFFFC00  }
0x1a: {  	v1 =	vld [tilespmem:s15+$0x0]  }
0x1b: {  	s16 =	simm.s32 $0x40  }
.LBB2_2:
0x1c: {  	p0 =	sne.s32 s16, $0xFC0  }
.Ltmp0:
0x1d: {  	_ = 	snop;
	(pc) =	sbr.rel @p0 .LBB2_2-.Ltmp0, $4  }
0x1e: {  	_ = 	snop  }
0x1f: {  	s17 =	sshra.s32 s16, $0x2;
	s16 =	sadd.s32 $0x40, s16;
	v2 =	vsub.s32 v1, v0  }
0x20: {  	v1 =	vld [tilespmem:s17+$0x0];
	v2 =	vmin.u32 v2, $0x7C000  }
0x21: {  	[tilespmem:s15+$0x400] =	vst v2;
	s15 =	smov.u32 s17  }
0x22: {  	_ =	sdelay $0x2  }
0x23: {  	v1 =	vsub.s32 v1, v0  }
0x24: {  	v1 =	vmin.u32 v1, $0x7C000  }
0x25: {  	[tilespmem:s15+$0x400] =	vst v1  }
0x26: {  	[bflag:$0x0] =	sbarrier.arrive $0xFFFF  }
0x27: {  	[spmem:s2] =	stream.indirect.scatter.add.f32 [tilespmem:s11], [sflag:$0x1], $0x1, s13, s13, $0xb8;
	[tilespmem:$0x8808] =	vst v63  }
0x28: {  	_ =	swait.ge [sflag:s12], $0x400  }
0x29: {  	s14 =	sadd.s32 $0x1, s14;
	[sflag:s12] =	ssyncset.done $0x0  }
0x2a: {  	p0 =	sne.s32 s14, s9;
	[sflag:s12] =	ssyncadd.s32 $0xFFFFFC00  }
.Ltmp1:
0x2b: {  	[bflag:$0x0] =	sbarrier.arrive $0xFFFF;
	(pc) =	sbr.rel @p0 .LBB2_1-.Ltmp1, $4  }
0x2c: {  	[hbm:s8], [sflag:s6] =	dma.local [spmem:s10], $0xF80  }
0x2d: {  	_ =	swait.ge [sflag:s12], $0xF80  }
0x2e: {  	[sflag:s12] =	ssyncset.done $0x0  }
0x2f: {  	[sflag:s12] =	ssyncadd.s32 $0xFFFFF080  }
0x30: {  	_ =	sfence.sel $0x180000  }
0x31: {  	[bflag:$0x0] =	sbarrier.arrive $0xFFFF  }
0x32: {  	p0 =	sne.s32 s0, $0x0;
	_ =	strace $0x90000047  }
0x33: {  	s0 =	sadd.s32 @!p0 $0x100000, s1;
	[bflag:$0x2] =	sbarrier.arrive $0xFFFF  }
0x34: {  	[sflag:s0] =	ssyncadd.tile.s32 @!p0 $0x1;
	_ =	shalt  }
.Lfunc_end2:
_tile_overlayer_lowered:
.L_overlay_start_2:
0x35: {  	(tag) =	ssettag $0x2  }
0x36: {  	s0 =	rddreg [dreg:$0x0];
	s2 =	stileid.u32  }
0x37: {  	s1 =	rddreg [dreg:$0x1];
	p0 =	sne.s32 s2, $0x0  }
0x38: {  	s3 =	rddreg [dreg:$0x2];
	[bflag:$0x3] =	sbarrier.arrive $0xFFFF;
	s2 =	simm.s32 @!p0 $0x1C02  }
0x39: {  	[timem:s3], [sflag:s2] =	dma.local @!p0 [hbm:s0], s1  }
0x3a: {  	s0 =	simm.s32 @!p0 $0x2  }
0x3b: {  	_ =	swait.ge @!p0 [sflag:s0], s1  }
0x3c: {  	s1 =	ssub.s32 @!p0 $0x0, s1;
	[sflag:s0] =	ssyncset.done @!p0 $0x0  }
0x3d: {  	[sflag:s0] =	ssyncadd.s32 @!p0 s1  }
0x3e: {  	[bflag:$0x3] =	sbarrier.arrive $0xFFFF  }
0x3f: {  	_ =	shalt  }

// kernel: kernel.9.cloned.1.call-start
scs
__scs_entry_jumppad:
0x0: {  	(pc) =	sbr.rel $0x88, $3  }
0x1: {  	(tag) =	ssettag $0x0;
	lr =	simm.s32 $0x1  }
0x2: {  	[smem:$0x3F99] =	sst lr;
	_ =	strace $0xD0000000  }
0x3: {  	_ = 	snop  }
0x4: {  	_ = 	snop  }
0x5: {  	_ = 	snop  }
0x6: {  	_ = 	snop  }
0x7: {  	_ = 	snop  }
__scs_overlays_trampoline_lowered:
0x8: {  	[smem:$0x3FA8] =	sst s0  }
0x9: {  	[smem:$0x3FA9] =	sst s1  }
0xa: {  	[smem:$0x3FAA] =	sst s2  }
0xb: {  	[smem:$0x3FAB] =	sst s3  }
0xc: {  	[smem:$0x3FAC] =	sst s4  }
0xd: {  	[smem:$0x3FAD] =	sst s5  }
0xe: {  	[smem:$0x3FAE] =	sst s6  }
0xf: {  	[smem:$0x3FAF] =	sst s7  }
0x10: {  	[smem:$0x3FB0] =	sst s8  }
0x11: {  	[smem:$0x3FB1] =	sst s9;
	s0 =	simm.s32 @!p0 $0x0  }
0x12: {  	s1 =	sld [smem:$0x3F97];
	s0 =	simm.s32 @p0 $0x1  }
0x13: {  	[smem:$0x3FB2] =	sst s0;
	s0 =	simm.s32 @!p1 $0x0  }
0x14: {  	s2 =	sld [smem:$0x3F96];
	s0 =	simm.s32 @p1 $0x1  }
0x15: {  	[smem:$0x3FB3] =	sst s0;
	s0 =	simm.s32 @!p2 $0x0  }
0x16: {  	s3 =	sld [smem:$0x3FDB];
	s0 =	simm.s32 @p2 $0x1  }
0x17: {  	s4 =	simm.s32 $0x1BF5;
	[smem:$0x3FB5] =	sst s0  }
0x18: {  	s0 =	sld [smem:$0x3F98];
	_ =	swait.ge [sflag:s4], $0x0  }
0x19: {  	s7 =	sld [smem:$0x3F99]  }
0x1a: {  	s8 =	sadd.s32 $0xFFFFE003, lr  }
0x1b: {  	s9 =	sadd.s32 $0xFFFFFEF7, lr;
	s5 =	simm.s32 $0xFFFFFFFF;
	p2 =	slt.u32 s8, $0xFFFFF086  }
0x1c: {  	p1 =	slt.u32 s9, $0xF7A;
	s5 =	simm.s32 @!p2 $0x0  }
0x1d: {  	s5 =	simm.s32 @p1 $0x1;
	p0 =	seq.s32 s7, s2  }
0x1e: {  	s7 =	smul.u32 @!p0 $0xF7A, s2;
	p2 =	seq.s32 @!p0 s5, $0x0  }
0x1f: {  	s9 =	smul.u32 $0xF7A, s1;
	s8 =	simm.s32 @!p0 $0x1BF5;
	p2 =	por !p2, p0  }
0x20: {  	[sflag:s8] =	ssyncset.s32 @!p0 $0xFFFFF086;
	s6 =	sadd.s32 @!p0 s3, s7;
	s7 =	simm.s32 @!p0 $0x108  }
0x21: {  	s3 =	sadd.s32 s3, s9;
	s6 =	sadd.s32 @!p0 $0x88, s6;
	s7 =	simm.s32 @p2 $0x1082  }
0x22: {  	[simem:s7], [sflag:s8] =	dma.local @!p0 [hbm:s6], $0xF7A  }
0x23: {  	s9 =	sor.u32 $0xD0000000, s2;
	s6 =	simm.s32 $0x108;
	_ =	swait.ge @!p0 [sflag:s8], $0x0  }
0x24: {  	s3 =	sadd.s32 $0x88, s3;
	s6 =	simm.s32 @!p1 $0x1082;
	[sflag:s4] =	ssyncset.s32 $0xFFFFF086  }
0x25: {  	[simem:s6], [sflag:s4] =	dma.local [hbm:s3], $0xF7A  }
0x26: {  	[smem:$0x3F99] =	sst s1;
	(tag) =	ssettag s2;
	_ =	strace s9  }
0x27: {  	s1 =	sld [smem:$0x3FA9]  }
0x28: {  	s2 =	sld [smem:$0x3FAA]  }
0x29: {  	s4 =	sld [smem:$0x3FAC]  }
0x2a: {  	p0 =	seq.s32 s5, $0x0;
	s5 =	sld [smem:$0x3FAD]  }
0x2b: {  	s6 =	sld [smem:$0x3FAE]  }
0x2c: {  	s7 =	sld [smem:$0x3FAF]  }
0x2d: {  	s3 =	simm.s32 $0x108;
	s8 =	sld [smem:$0x3FB0]  }
0x2e: {  	s3 =	simm.s32 @!p0 $0x1082;
	s9 =	sld [smem:$0x3FB1]  }
0x2f: {  	lr =	sadd.s32 s0, s3;
	s0 =	sld [smem:$0x3FA8]  }
0x30: {  	s3 =	sld [smem:$0x3FAB]  }
0x31: {  	[smem:$0x3FB4] =	sst s10  }
0x32: {  	s10 =	sld [smem:$0x3FB2];
	_ =	sdelay $0x3  }
0x33: {  	p0 =	seq.s32 s10, $0x1;
	s10 =	sld [smem:$0x3FB4];
	_ =	sdelay $0x3  }
0x34: {  	[smem:$0x3FB4] =	sst s10  }
0x35: {  	s10 =	sld [smem:$0x3FB3];
	_ =	sdelay $0x3  }
0x36: {  	p1 =	seq.s32 s10, $0x1;
	s10 =	sld [smem:$0x3FB4];
	_ =	sdelay $0x3  }
0x37: {  	[smem:$0x3FB4] =	sst s10  }
0x38: {  	s10 =	sld [smem:$0x3FB5]  }
0x39: {  	_ = 	snop;
	(pc) =	sbr.ind lr, $3  }
0x3a: {  	_ = 	snop  }
0x3b: {  	_ = 	snop  }
0x3c: {  	p2 =	seq.s32 s10, $0x1;
	s10 =	sld [smem:$0x3FB4]  }
0x3d: {  	_ =	shalt  }
0x3e: {  	_ =	shalt  }
0x3f: {  	_ =	shalt  }
0x40: {  	_ =	shalt  }
0x41: {  	_ =	shalt  }
0x42: {  	_ =	shalt  }
0x43: {  	_ =	shalt  }
0x44: {  	_ =	shalt  }
0x45: {  	_ =	shalt  }
0x46: {  	_ =	shalt  }
0x47: {  	_ =	shalt  }
0x48: {  	_ =	shalt  }
0x49: {  	_ =	shalt  }
0x4a: {  	_ =	shalt  }
0x4b: {  	_ =	shalt  }
0x4c: {  	_ =	shalt  }
0x4d: {  	_ =	shalt  }
0x4e: {  	_ =	shalt  }
0x4f: {  	_ =	shalt  }
0x50: {  	_ =	shalt  }
0x51: {  	_ =	shalt  }
0x52: {  	_ =	shalt  }
0x53: {  	_ =	shalt  }
0x54: {  	_ =	shalt  }
0x55: {  	_ =	shalt  }
0x56: {  	_ =	shalt  }
0x57: {  	_ =	shalt  }
0x58: {  	_ =	shalt  }
0x59: {  	_ =	shalt  }
0x5a: {  	_ =	shalt  }
0x5b: {  	_ =	shalt  }
0x5c: {  	_ =	shalt  }
0x5d: {  	_ =	shalt  }
0x5e: {  	_ =	shalt  }
0x5f: {  	_ =	shalt  }
0x60: {  	_ =	shalt  }
0x61: {  	_ =	shalt  }
0x62: {  	_ =	shalt  }
0x63: {  	_ =	shalt  }
0x64: {  	_ =	shalt  }
0x65: {  	_ =	shalt  }
0x66: {  	_ =	shalt  }
0x67: {  	_ =	shalt  }
0x68: {  	_ =	shalt  }
0x69: {  	_ =	shalt  }
0x6a: {  	_ =	shalt  }
0x6b: {  	_ =	shalt  }
0x6c: {  	_ =	shalt  }
0x6d: {  	_ =	shalt  }
0x6e: {  	_ =	shalt  }
0x6f: {  	_ =	shalt  }
0x70: {  	_ =	shalt  }
0x71: {  	_ =	shalt  }
0x72: {  	_ =	shalt  }
0x73: {  	_ =	shalt  }
0x74: {  	_ =	shalt  }
0x75: {  	_ =	shalt  }
0x76: {  	_ =	shalt  }
0x77: {  	_ =	shalt  }
0x78: {  	_ =	shalt  }
0x79: {  	_ =	shalt  }
0x7a: {  	_ =	shalt  }
0x7b: {  	_ =	shalt  }
0x7c: {  	_ =	shalt  }
0x7d: {  	_ =	shalt  }
0x7e: {  	_ =	shalt  }
0x7f: {  	_ =	shalt  }
0x80: {  	_ =	shalt  }
0x81: {  	_ =	shalt  }
0x82: {  	_ =	shalt  }
0x83: {  	_ =	shalt  }
0x84: {  	_ =	shalt  }
0x85: {  	_ =	shalt  }
0x86: {  	_ =	shalt  }
0x87: {  	_ =	shalt  }
.Lfunc_end0:
.L_simem_size_0:
called_computation.1_lowered:
.L_overlay_start_0:
0x88: {  	s2 =	sld [smem:$0x3FD9]  }
0x89: {  	s3 =	sld [smem:$0x3FFE];
	_ =	sdelay $0x1  }
0x8a: {  	s1 =	srdreg.scid  }
0x8b: {  	s0 =	sand.u32 $0x1, s1  }
0x8c: {  	s17 =	sshll.u32 s0, $0xA;
	s2 =	sadd.s32 s3, s2  }
0x8d: {  	s2 =	sadd.s32 s2, s17  }
0x8e: {  	[smem:$0x3FC0] =	sst s2  }
0x8f: {  	_ = 	snop  }
0x90: {  	s18 =	sld [smem:$0x3FC8]  }
0x91: {  	s4 =	sld [smem:$0x3FC7];
	(tm) =	ssettm $0x1  }
0x92: {  	s19 =	sld [smem:$0x3FFB];
	_ =	sdelay $0x3  }
0x93: {  	_ =	strace s19  }
0x94: {  	s2 =	sld [smem:$0x3FFC];
	_ =	sdelay $0x3  }
0x95: {  	_ =	strace s2  }
0x96: {  	s2 =	sld [smem:$0x3FFD];
	_ =	sdelay $0x3  }
0x97: {  	_ =	strace s2  }
0x98: {  	_ =	strace $0x8FFFFFFF  }
0x99: {  	s20 =	sld [smem:$0x3FDB];
	_ =	sdelay $0x1  }
0x9a: {  	s5 =	simm.s32 $_scs_section_size  }
0x9b: {  	s6 =	simm.s32 $_size__tile_overlayer_lowered;
	s7 =	simm.s32 $_tile_overlayer_lowered  }
0x9c: {  	s8 =	simm.s32 $0x1BFF;
	s21 =	sshll.u32 s7, $0x1;
	s5 =	sadd.s32 s5, s20  }
0x9d: {  	s22 =	simm.s32 $0x0;
	s6 =	sshll.u32 s6, $0x1;
	s7 =	sadd.s32 s21, s5  }
0x9e: {  	[timem:s22], [sflag:s8] =	dma.local [hbm:s7], s6  }
0x9f: {  	_ =	swait.ge [sflag:s8], s6  }
0xa0: {  	s6 =	ssub.s32 $0x0, s6;
	[sflag:s8] =	ssyncset.done $0x0  }
0xa1: {  	[sflag:s8] =	ssyncadd.s32 s6;
	_ =	sdelay $0x1  }
0xa2: {  	s23 =	simm.s32 $0x1B8B  }
0xa3: {  	_ =	swait.ge [sflag:s23], $0x1  }
0xa4: {  	[sflag:s23] =	ssyncset.done $0x0  }
0xa5: {  	[sflag:s23] =	ssyncadd.s32 $0xFFFFFFFF  }
0xa6: {  	s6 =	sld [smem:$0x0]  }
0xa7: {  	s7 =	sand.u32 $0xFFFFFFFE, s1  }
0xa8: {  	p0 =	sne.s32 s1, s7  }
0xa9: {  	s7 =	sshll.u32 @p0 s7, $0xE  }
0xaa: {  	s7 =	sadd.s32 @p0 $0x11B8D, s7;
	s8 =	sshll.u32 @p0 s6, $0x11  }
0xab: {  	s7 =	sor.u32 @p0 s8, s7  }
0xac: {  	[sflag:s7] =	ssyncadd.remote.s32 @p0 $0x1;
	_ =	sdelay $0x1  }
0xad: {  	s7 =	simm.s32 @p0 $0x1B8D  }
0xae: {  	_ =	swait.eq @p0 [sflag:s7], $0x1  }
0xaf: {  	[sflag:s7] =	ssyncadd.s32 @p0 $0xFFFFFFFF  }
0xb0: {  	s8 =	sshll.u32 @!p0 s1, $0xE  }
0xb1: {  	s8 =	sor.u32 @!p0 $0x4000, s8;
	s7 =	simm.s32 @!p0 $0x1B8D  }
0xb2: {  	s6 =	sshll.u32 @!p0 s6, $0x11;
	s8 =	sadd.s32 @!p0 $0x11B8D, s8;
	_ =	swait.eq @!p0 [sflag:s7], $0x1  }
0xb3: {  	s6 =	sor.u32 @!p0 s6, s8;
	[sflag:s7] =	ssyncadd.s32 @!p0 $0xFFFFFFFF  }
0xb4: {  	s25 =	simm.s32 $0x1B8E;
	s24 =	sld [smem:$0x3FFE];
	[sflag:s6] =	ssyncadd.remote.s32 @!p0 $0x1  }
0xb5: {  	s26 =	simm.s32 $execute0_lowered;
	[smem:$0x3FD2] =	sst s25  }
0xb6: {  	s7 =	sshll.u32 s26, $0x1;
	_ =	strace $0x80000049;
	[dreg:$0x1] =	wrdreg $0xFFFFFFFF  }
0xb7: {  	s28 =	simm.s32 $_size_execute0_lowered;
	s5 =	sadd.s32 s5, s7;
	[dreg:$0x0] =	wrdreg $0x0  }
0xb8: {  	s7 =	sshll.u32 s28, $0x1;
	[dreg:$0x2] =	wrdreg s5  }
0xb9: {  	[dreg:$0x3] =	wrdreg s7  }
0xba: {  	[dreg:$0x4] =	wrdreg $0xC0  }
0xbb: {  	_ =	task [dreg:s22], $0x5FFFF  }
0xbc: {  	[dreg:$0x1] =	wrdreg $0xFFFFFFFF  }
0xbd: {  	[dreg:$0x0] =	wrdreg $0x60  }
0xbe: {  	[dreg:$0x2] =	wrdreg s18  }
0xbf: {  	[dreg:$0x3] =	wrdreg s4  }
0xc0: {  	[dreg:$0x4] =	wrdreg s24  }
0xc1: {  	[dreg:$0x5] =	wrdreg $0x14000  }
0xc2: {  	[dreg:$0x6] =	wrdreg $0x22080  }
0xc3: {  	[dreg:$0x7] =	wrdreg $0xA  }
0xc4: {  	_ =	task.clear_ibuf [dreg:s22], $0x8FFFF;
	_ =	strace $0x90000049  }
0xc5: {  	s29 =	simm.s32 $0xA;
	_ =	strace $0x8000004B  }
0xc6: {  	_ =	swait.ge [sflag:s29], $0x1  }
0xc7: {  	[sflag:s29] =	ssyncadd.s32 $0xFFFFFFFF  }
0xc8: {  	_ =	strace $0x9000004B  }
0xc9: {  	_ =	sfence  }
0xca: {  	s30 =	sld [smem:$0x0];
	_ =	sdelay $0x2  }
0xcb: {  	s31 =	sshll.u32 s1, $0xD;
	s1 =	sshrl.u32 s1, $0x2  }
0xcc: {  	s4 =	sand.u32 $0x4000, s31;
	s1 =	sadd.s32 s1, s30  }
0xcd: {  	s0 =	sor.u32 s4, s0;
	s1 =	sshll.u32 s1, $0x11  }
0xce: {  	s0 =	sor.u32 s1, s0  }
0xcf: {  	s0 =	sadd.s32 $0x8F2B, s0  }
0xd0: {  	[sflag:s0] =	ssyncadd.remote.s32 $0x1  }
0xd1: {  	_ =	sfence.sel $0xFFFF  }
0xd2: {  	[dreg:$0x0] =	wrdreg $0xFFFFFFFF;
	(pc) =	sbr.abs _section_cstart, $3  }
0xd3: {  	[dreg:$0x1] =	wrdreg $0xFFFFFFFF  }
0xd4: {  	_ =	task.clear_ibuf [dreg:s22], $0x2FFFF;
	_ =	strace $0x9FFFFFFF  }
0xd5: {  	(tm) =	ssettm $0x7FFFFFFF  }
tec
execute0_lowered:
.L_overlay_start_1:
0x0: {  	(tag) =	ssettag $0x1  }
0x1: {  	s8 =	rddreg [dreg:$0x0]  }
0x2: {  	s9 =	rddreg [dreg:$0x1]  }
0x3: {  	s7 =	rddreg [dreg:$0x2]  }
0x4: {  	s2 =	rddreg [dreg:$0x3];
	s1 =	srdreg.scid  }
0x5: {  	s0 =	stileid.u32;
	s3 =	rddreg [dreg:$0x4]  }
0x6: {  	s4 =	simm.s32 $0x0;
	s16 =	simm.s32 $0x400;
	s17 =	simm.s32 $0x1  }
0x7: {  	s19 =	simm.s32 $0xC00;
	s5 =	sand.u32 $0x1, s1;
	s1 =	rddreg [dreg:$0x5]  }
0x8: {  	s20 =	simm.s32 $0x0;
	s10 =	smul.u32 $0xE00, s0;
	[smem:$0x7FF] =	sst s4  }
0x9: {  	s30 =	sshll.u32 s0, $0x6;
	s31 =	sshll.u32 s0, $0x7;
	s18 =	smul.u32 $0xE000, s5  }
0xa: {  	_ =	strace $0x8000004A;
	s11 =	ssub.s32 $0x2, s5;
	s5 =	sadd.s32 $0x1400, s7  }
0xb: {  	s8 =	sadd.s32 s8, s31;
	s9 =	sadd.s32 s9, s31;
	s13 =	sshrl.u32 s11, $0x1  }
0xc: {  	s14 =	sadd.s32 s10, s2;
	s15 =	sadd.s32 s10, s3;
	s6 =	sadd.s32 s10, s18  }
0xd: {  	s13 =	ssub.s32 s11, s13;
	v0 =	vmov s18;
	s18 =	simm.s32 $0x800;
	s12 =	sshrl.u32 s6, $0x3  }
0xe: {  	s6 =	sadd.s32 $0x2400, s7;
	s12 =	sadd.s32 s12, s7;
	s7 =	sor.u32 $0x1C01, s30  }
0xf: {  	s10 =	sadd.s32 $0x21600, s12;
	s11 =	sadd.s32 $0x24E00, s12;
	s12 =	smax.u32 s13, $0x1  }
0x10: {  	s13 =	sshrl.u32 s14, $0x3;
	s14 =	sshrl.u32 s15, $0x3;
	s15 =	simm.s32 $0x1000  }
.LBB2_1:
0x11: {  	[spmem:s13], [sflag:s7] =	dma.local [hbm:s5], $0x1C0  }
0x12: {  	[spmem:s14], [sflag:s7] =	dma.local [hbm:s5], $0x1C0  }
0x13: {  	[tilespmem:s15], [sflag:$0x1] =	stream.linear.gather [hbm4b:s6+s4], $0x400, $0x38;
	[tilespmem:$0x3010] =	vst v63  }
0x14: {  	_ = 	snop  }
0x15: {  	[tilespmem:s4], [sflag:$0x1] =	stream.linear.gather [hbm4b:s8+s4], $0x400, $0x38;
	[tilespmem:$0x3010] =	vst v63  }
0x16: {  	_ = 	snop  }
0x17: {  	[tilespmem:s16], [sflag:$0x1] =	stream.linear.gather [hbm4b:s9+s4], $0x400, $0x38;
	[tilespmem:$0x3010] =	vst v63  }
0x18: {  	_ =	swait.ge [sflag:s17], $0x1C0  }
0x19: {  	[sflag:s17] =	ssyncset.done $0x0  }
0x1a: {  	[sflag:s17] =	ssyncadd.s32 $0xFFFFFE40  }
0x1b: {  	_ =	swait.ge [sflag:s17], $0x1C0  }
0x1c: {  	[sflag:s17] =	ssyncset.done $0x0  }
0x1d: {  	[sflag:s17] =	ssyncadd.s32 $0xFFFFFE40  }
0x1e: {  	_ =	swait.ge [sflag:s17], $0x400  }
0x1f: {  	[sflag:s17] =	ssyncset.done $0x0  }
0x20: {  	[sflag:s17] =	ssyncadd.s32 $0xFFFFFC00  }
0x21: {  	_ =	swait.ge [sflag:s17], $0x400  }
0x22: {  	[sflag:s17] =	ssyncset.done $0x0  }
0x23: {  	[sflag:s17] =	ssyncadd.s32 $0xFFFFFC00  }
0x24: {  	_ =	swait.ge [sflag:s17], $0x400  }
0x25: {  	[sflag:s17] =	ssyncset.done $0x0  }
0x26: {  	s21 =	simm.s32 $0x0;
	[sflag:s17] =	ssyncadd.s32 $0xFFFFFC00  }
0x27: {  	v1 =	vld [tilespmem:s21+$0x0]  }
0x28: {  	s22 =	simm.s32 $0x40  }
.LBB2_2:
0x29: {  	p0 =	sne.s32 s22, $0xFC0  }
.Ltmp0:
0x2a: {  	_ = 	snop;
	(pc) =	sbr.rel @p0 .LBB2_2-.Ltmp0, $4  }
0x2b: {  	_ = 	snop  }
0x2c: {  	s23 =	sshra.s32 s22, $0x2;
	s22 =	sadd.s32 $0x40, s22;
	v2 =	vsub.s32 v1, v0  }
0x2d: {  	v1 =	vld [tilespmem:s23+$0x0];
	v2 =	vmin.u32 v2, $0xE000  }
0x2e: {  	[tilespmem:s21+$0x800] =	vst v2;
	s21 =	smov.u32 s23  }
0x2f: {  	_ =	sdelay $0x2  }
0x30: {  	v1 =	vsub.s32 v1, v0  }
0x31: {  	v1 =	vmin.u32 v1, $0xE000  }
0x32: {  	[tilespmem:s21+$0x800] =	vst v1;
	s21 =	simm.s32 $0x0  }
0x33: {  	v1 =	vld [tilespmem:s21+$0x400]  }
0x34: {  	s22 =	simm.s32 $0x40  }
.LBB2_4:
0x35: {  	p0 =	sne.s32 s22, $0xFC0  }
.Ltmp1:
0x36: {  	_ = 	snop;
	(pc) =	sbr.rel @p0 .LBB2_4-.Ltmp1, $4  }
0x37: {  	_ = 	snop  }
0x38: {  	s23 =	sshra.s32 s22, $0x2;
	s22 =	sadd.s32 $0x40, s22;
	v2 =	vsub.s32 v1, v0  }
0x39: {  	v1 =	vld [tilespmem:s23+$0x400];
	v2 =	vmin.u32 v2, $0xE000  }
0x3a: {  	[tilespmem:s21+$0xC00] =	vst v2;
	s21 =	smov.u32 s23  }
0x3b: {  	_ =	sdelay $0x2  }
0x3c: {  	v1 =	vsub.s32 v1, v0  }
0x3d: {  	v1 =	vmin.u32 v1, $0xE000  }
0x3e: {  	[tilespmem:s21+$0xC00] =	vst v1  }
0x3f: {  	[bflag:$0x0] =	sbarrier.arrive $0xFFFF  }
0x40: {  	[spmem:s2] =	stream.indirect.scatter.add.f32 [tilespmem:s15], [sflag:$0x1], $0x1, s18, s16, $0xb8;
	[tilespmem:$0x3010] =	vst v63  }
0x41: {  	_ = 	snop  }
0x42: {  	[spmem:s3] =	stream.indirect.scatter.add.f32 [tilespmem:s15], [sflag:$0x1], $0x1, s19, s16, $0xb8;
	[tilespmem:$0x3010] =	vst v63  }
0x43: {  	_ =	swait.ge [sflag:s17], $0x400  }
0x44: {  	[sflag:s17] =	ssyncset.done $0x0  }
0x45: {  	[sflag:s17] =	ssyncadd.s32 $0xFFFFFC00  }
0x46: {  	_ =	swait.ge [sflag:s17], $0x400  }
0x47: {  	[sflag:s17] =	ssyncset.done $0x0  }
0x48: {  	[sflag:s17] =	ssyncadd.s32 $0xFFFFFC00  }
0x49: {  	s20 =	sadd.s32 $0x1, s20;
	[bflag:$0x0] =	sbarrier.arrive $0xFFFF  }
0x4a: {  	[hbm:s10], [sflag:s7] =	dma.local [spmem:s13], $0x1C0  }
0x4b: {  	[hbm:s11], [sflag:s7] =	dma.local [spmem:s14], $0x1C0  }
0x4c: {  	p0 =	sne.s32 s20, s12;
	_ =	swait.ge [sflag:s17], $0x1C0  }
.Ltmp2:
0x4d: {  	[sflag:s17] =	ssyncset.done $0x0;
	(pc) =	sbr.rel @p0 .LBB2_1-.Ltmp2, $4  }
0x4e: {  	[sflag:s17] =	ssyncadd.s32 $0xFFFFFE40  }
0x4f: {  	_ =	swait.ge [sflag:s17], $0x1C0  }
0x50: {  	[sflag:s17] =	ssyncset.done $0x0  }
0x51: {  	[sflag:s17] =	ssyncadd.s32 $0xFFFFFE40  }
0x52: {  	_ =	sfence.sel $0x180000  }
0x53: {  	[bflag:$0x0] =	sbarrier.arrive $0xFFFF  }
0x54: {  	p0 =	sne.s32 s0, $0x0;
	_ =	strace $0x9000004A  }
0x55: {  	s0 =	sadd.s32 @!p0 $0x100000, s1;
	[bflag:$0x2] =	sbarrier.arrive $0xFFFF  }
0x56: {  	[sflag:s0] =	ssyncadd.tile.s32 @!p0 $0x1;
	_ =	shalt  }
.Lfunc_end2:
_tile_overlayer_lowered:
.L_overlay_start_2:
0x57: {  	(tag) =	ssettag $0x2  }
0x58: {  	s0 =	rddreg [dreg:$0x0];
	s2 =	stileid.u32  }
0x59: {  	s1 =	rddreg [dreg:$0x1];
	p0 =	sne.s32 s2, $0x0  }
0x5a: {  	s3 =	rddreg [dreg:$0x2];
	[bflag:$0x3] =	sbarrier.arrive $0xFFFF;
	s2 =	simm.s32 @!p0 $0x1C02  }
0x5b: {  	[timem:s3], [sflag:s2] =	dma.local @!p0 [hbm:s0], s1  }
0x5c: {  	s0 =	simm.s32 @!p0 $0x2  }
0x5d: {  	_ =	swait.ge @!p0 [sflag:s0], s1  }
0x5e: {  	s1 =	ssub.s32 @!p0 $0x0, s1;
	[sflag:s0] =	ssyncset.done @!p0 $0x0  }
0x5f: {  	[sflag:s0] =	ssyncadd.s32 @!p0 s1  }
0x60: {  	[bflag:$0x3] =	sbarrier.arrive $0xFFFF  }
0x61: {  	_ =	shalt  }

</sc_bundles>
